<compile_context>
chip_gen: v7x
topology: tpu7x:2x2x1
jax: 0.10.2.dev20260603
libtpu: 0.0.44.dev20260713+nightly
codegen_flags: <defaults>
</compile_context>

<pallas_src>
import functools

import jax
import jax.numpy as jnp
import numpy as np
from jax import lax
from jax.experimental import pallas as pl
from jax.experimental.pallas import tpu as pltpu
from jax.experimental.pallas import tpu_sc as plsc

_LANES = 16
_NWORKERS = 32


def _tc_pack_transpose(table_t):
    f, d, v = table_t.shape
    ng = f // 2
    vblk = 5120
    e0_np = np.concatenate([np.eye(d), np.zeros((d, d))], axis=1)
    e1_np = np.concatenate([np.zeros((d, d)), np.eye(d)], axis=1)

    def body(x_ref, e0_ref, e1_ref, o_ref):
        x0 = x_ref[0].astype(jnp.bfloat16)
        x1 = x_ref[1].astype(jnp.bfloat16)
        dn = (((0,), (0,)), ((), ()))
        y = (lax.dot_general(x0, e0_ref[...], dn,
                             preferred_element_type=jnp.float32)
             + lax.dot_general(x1, e1_ref[...], dn,
                               preferred_element_type=jnp.float32))
        o_ref[0] = pltpu.bitcast(y.astype(jnp.bfloat16), jnp.int32)

    return pl.pallas_call(
        body,
        grid=(ng, pl.cdiv(v, vblk)),
        in_specs=[
            pl.BlockSpec((2, d, vblk), lambda g, j: (g, 0, j)),
            pl.BlockSpec((d, 2 * d), lambda g, j: (0, 0)),
            pl.BlockSpec((d, 2 * d), lambda g, j: (0, 0)),
        ],
        out_specs=pl.BlockSpec((1, vblk // 2, 2 * d), lambda g, j: (g, j, 0)),
        out_shape=jax.ShapeDtypeStruct((ng, v // 2, 2 * d), jnp.int32),
    )(table_t,
      jnp.asarray(e0_np, dtype=jnp.bfloat16),
      jnp.asarray(e1_np, dtype=jnp.bfloat16))


def _sc_fm_gather(tpack, cat_t):
    ng, vh, d2 = tpack.shape
    d = d2 // 2
    f = 2 * ng
    n_b = cat_t.shape[1]
    bt = n_b // _NWORKERS

    mesh = plsc.VectorSubcoreMesh(core_axis_name="c", subcore_axis_name="s")

    @functools.partial(
        pl.kernel,
        out_type=jax.ShapeDtypeStruct((2, n_b, d), jnp.float32),
        mesh=mesh,
        scratch_types=[
            pltpu.VMEM((f, bt), jnp.int32),
            pltpu.VMEM((f, bt), jnp.int32),
            pltpu.VMEM((2, bt, d2), jnp.int32),
            pltpu.VMEM((bt, d), jnp.float32),
            pltpu.VMEM((bt, d), jnp.float32),
            pltpu.SemaphoreType.DMA,
            pltpu.SemaphoreType.DMA,
        ],
        compiler_params=pltpu.CompilerParams(use_tc_tiling_on_sc=True,
                                             needs_layout_passes=False),
    )
    def fk(tpack_hbm, cat_hbm, out_hbm, idx_v, pair_v, gbuf, s_t, ss_t,
           sema, semb):
        cid = lax.axis_index("c")
        sid = lax.axis_index("s")
        wid = sid * 2 + cid
        bbase = wid * bt

        pltpu.sync_copy(cat_hbm.at[:, pl.ds(bbase, bt)], idx_v)

        zero = jnp.zeros((_LANES,), jnp.float32)

        @pl.loop(0, f)
        def _(q):
            for i in range(bt // _LANES):
                sl = pl.ds(i * _LANES, _LANES)
                pair_v[q, sl] = lax.shift_right_logical(idx_v[q, sl], 1)

        @pl.loop(0, bt)
        def _(r):
            for i in range(d // _LANES):
                sl = pl.ds(i * _LANES, _LANES)
                s_t[r, sl] = zero
                ss_t[r, sl] = zero

        sems = (sema, semb)

        def gather_q(q, p):
            return pltpu.async_copy(
                tpack_hbm.at[q // 2].at[pair_v.at[q]], gbuf.at[p], sems[p])

        @pl.when(True)
        def _():
            gather_q(0, 0)

        himask = jnp.full((_LANES,), -65536, jnp.int32)

        @pl.loop(0, f)
        def _(q):
            parity = lax.rem(q, 2)
            for p in range(2):
                @pl.when(parity == p)
                def _():
                    pltpu.make_async_copy(
                        tpack_hbm.at[q // 2].at[pair_v.at[q]],
                        gbuf.at[p], sems[p]).wait()

                    @pl.when(q + 1 < f)
                    def _():
                        gather_q(q + 1, 1 - p)

                    buf = gbuf.at[p]

                    @pl.loop(0, bt)
                    def _(r):
                        xv = plsc.load_gather(
                            idx_v, [jnp.full((_LANES,), q, jnp.int32),
                                    jnp.full((_LANES,), r, jnp.int32)])
                        odd = lax.rem(xv, 2) == 1
                        for c in range(d // _LANES):
                            w = buf[r, pl.ds(p * d + c * _LANES, _LANES)]
                            lo = plsc.bitcast(lax.shift_left(w, 16),
                                              jnp.float32)
                            hi = plsc.bitcast(lax.bitwise_and(w, himask),
                                              jnp.float32)
                            x = jnp.where(odd, lo, hi)
                            sl = pl.ds(c * _LANES, _LANES)
                            plsc.addupdate(s_t.at[r, sl], x)
                            plsc.addupdate(ss_t.at[r, sl], x * x)

        pltpu.sync_copy(s_t, out_hbm.at[0, pl.ds(bbase, bt), :])
        pltpu.sync_copy(ss_t, out_hbm.at[1, pl.ds(bbase, bt), :])

    return fk(tpack, cat_t)


def _tc_finish(partials, numeric_t, cat_t, w_num_t, w_cat_t, lin_b2):
    _, n_b, d = partials.shape
    n_num = numeric_t.shape[0]
    f = cat_t.shape[0]
    bb = 512
    g = n_b // bb

    def body(p_ref, num_ref, cat_ref, wn_ref, wc_ref, b_ref, o_ref):
        p = p_ref[...]
        s = p[0]
        ss = p[1]
        order2 = 0.5 * jnp.sum(s * s - ss, axis=1)
        catf = cat_ref[...].astype(jnp.float32)
        order1 = (
            jnp.sum(num_ref[...] * wn_ref[...], axis=0)
            + jnp.sum(catf * wc_ref[...], axis=0)
            + b_ref[0, 0]
        )
        o_ref[...] = jax.nn.sigmoid(order1 + order2).reshape(1, 1, bb)

    return pl.pallas_call(
        body,
        grid=(g,),
        in_specs=[
            pl.BlockSpec((2, bb, d), lambda i: (0, i, 0)),
            pl.BlockSpec((n_num, bb), lambda i: (0, i)),
            pl.BlockSpec((f, bb), lambda i: (0, i)),
            pl.BlockSpec((n_num, 1), lambda i: (0, 0)),
            pl.BlockSpec((f, 1), lambda i: (0, 0)),
            pl.BlockSpec((1, 1), lambda i: (0, 0)),
        ],
        out_specs=pl.BlockSpec((1, 1, bb), lambda i: (i, 0, 0)),
        out_shape=jax.ShapeDtypeStruct((g, 1, bb), jnp.float32),
    )(partials, numeric_t, cat_t, w_num_t, w_cat_t, lin_b2)


def kernel(numeric_features, cat_features, lin_w, lin_b, emb_tables):
    b, f = cat_features.shape
    n_num = numeric_features.shape[1]
    cat_i = cat_features.astype(jnp.int32)
    table_t = jnp.transpose(emb_tables, (0, 2, 1))
    cat_t = jnp.transpose(cat_i, (1, 0))
    numeric_t = jnp.transpose(numeric_features, (1, 0))
    tpack = _tc_pack_transpose(table_t)
    partials = _sc_fm_gather(tpack, cat_t)
    out = _tc_finish(
        partials,
        numeric_t,
        cat_t,
        lin_w[:, :n_num].reshape(n_num, 1),
        lin_w[:, n_num:].reshape(f, 1),
        lin_b.reshape(1, 1),
    )
    return out.reshape(b)

# --- scband reference (transcript-rebuilt; emitter-appended) ---
"""Pipeline reference for scband-fm-3083786518872 (READ-ONLY COPY).

The authoritative reference and input builder live on the scoring server;
editing this copy changes nothing except your own understanding.
"""

import jax, jax.numpy as jnp
import numpy as np

BATCH = 4096
NUM_NUMERIC = 13
NUM_CAT = 26
VOCAB = 100000
EMBED_DIM = 64


def setup_inputs(seed: int = 0) -> dict:
    key = jax.random.key(seed)
    k1, k2, k3, k4, k5 = jax.random.split(key, 5)
    numeric_features = jax.random.normal(k1, (BATCH, NUM_NUMERIC), dtype=jnp.float32)
    cat_features = jax.random.randint(k2, (BATCH, NUM_CAT), 0, VOCAB, dtype=jnp.int64)
    # Linear over concatenated [numeric, cat-as-float]: in_features = 13 + 26 = 39
    lin_w = jax.random.normal(k3, (1, NUM_NUMERIC + NUM_CAT), dtype=jnp.float32) * 0.05
    lin_b = jnp.zeros((1,), dtype=jnp.float32)
    # 26 embedding tables, each [VOCAB, EMBED_DIM], stacked; padding_idx=0 -> row 0 zeroed
    emb_tables = jax.random.normal(k4, (NUM_CAT, VOCAB, EMBED_DIM), dtype=jnp.float32) * 0.01
    emb_tables = emb_tables.at[:, 0, :].set(0.0)
    return {
        "numeric_features": numeric_features,
        "cat_features": cat_features,
        "lin_w": lin_w,
        "lin_b": lin_b,
        "emb_tables": emb_tables,
    }


def reference(numeric_features, cat_features, lin_w, lin_b, emb_tables):
    # First-order term: linear over concatenated features (cat indices cast to float,
    # matching torch.cat type promotion)
    features = jnp.concatenate(
        [numeric_features, cat_features.astype(jnp.float32)], axis=1
    )
    order_one_output = (features @ lin_w.T + lin_b).reshape(-1)  # [B]

    # Embedding lookups: field i uses table i. emb_tables: [F, V, D], cat_features: [B, F]
    field_ids = jnp.arange(NUM_CAT)[None, :]  # [1, F] broadcasts against [B, F]
    v = emb_tables[field_ids, cat_features]  # [B, F, D]

    # Second-order FM interaction
    squared_sum = jnp.sum(v, axis=1) ** 2        # [B, D]
    sum_squared = jnp.sum(v ** 2, axis=1)        # [B, D]
    order_two_output = jnp.sum(squared_sum - sum_squared, axis=1) * 0.5  # [B]

    y_hat = jax.nn.sigmoid(order_one_output + order_two_output)
    return y_hat

if __name__ == "__main__":
    import jax
    _d = setup_inputs()
    print(jax.jit(kernel)(*tuple(_d.values())))

</pallas_src>

<mosaic_0001>
#map = affine_map<(d0, d1) -> (0, 0, 0)>
#map1 = affine_map<(d0, d1) -> (0, 0)>
module attributes {stable_mosaic.version = 14 : i64} {
  func.func @fk(%arg0: i32, %arg1: i32, %arg2: memref<13x50000x128xi32, #tpu.memory_space<hbm>>, %arg3: memref<26x4096xi32, #tpu.memory_space<hbm>>, %arg4: memref<2x4096x64xf32, #tpu.memory_space<hbm>>, %arg5: memref<26x128xi32, #tpu.memory_space<vmem>>, %arg6: memref<26x128xi32, #tpu.memory_space<vmem>>, %arg7: memref<2x128x128xi32, #tpu.memory_space<vmem>>, %arg8: memref<128x64xf32, #tpu.memory_space<vmem>>, %arg9: memref<128x64xf32, #tpu.memory_space<vmem>>, %arg10: memref<!tpu.dma_semaphore, #tpu.memory_space<semaphore_mem>>, %arg11: memref<!tpu.dma_semaphore, #tpu.memory_space<semaphore_mem>>) attributes {dimension_semantics = [#tpu.dimension_semantics<core_parallel>, #tpu.dimension_semantics<subcore_parallel>], iteration_bounds = array<i64: 2, 16>, scalar_prefetch = 0 : i64, scratch_operands = 7 : i64, tpu.core_type = #tpu.core_type<sc_vector_subcore>, window_params = [{transform_indices = #map}, {transform_indices = #map1}, {transform_indices = #map}]} {
    %mul3A = arith.constant 2 : i32
    %mul3A_0 = arith.muli %arg1, %mul3A : i32
    %add3A = arith.addi %mul3A_0, %arg0 : i32
    %mul3A_1 = arith.constant 128 : i32
    %mul3A_2 = arith.muli %add3A, %mul3A_1 : i32
    "tpu.region"() ({
      %run_scoped3A_37 = tpu.sem_alloc : memref<!tpu.dma_semaphore, #tpu.memory_space<semaphore_mem>>
      %dma_start3A_38 = arith.constant 0 : i32
      %dma_start3A_39 = tpu.memref_slice %arg3[%dma_start3A_38, %mul3A_2] : memref<26x4096xi32, #tpu.memory_space<hbm>> -> memref<26x128xi32, #tpu.memory_space<hbm>>
      %dma_start3A_40 = arith.constant 0 : i32
      %dma_start3A_41 = tpu.memref_slice %arg3[%dma_start3A_40, %mul3A_2] : memref<26x4096xi32, #tpu.memory_space<hbm>> -> memref<26x128xi32, #tpu.memory_space<hbm>>
      tpu.enqueue_dma source(%dma_start3A_41 : memref<26x128xi32, #tpu.memory_space<hbm>>) target(%arg5 : memref<26x128xi32, #tpu.memory_space<vmem>>) target_semaphore(%run_scoped3A_37 : memref<!tpu.dma_semaphore, #tpu.memory_space<semaphore_mem>>)
      %dma_wait3A = arith.constant 0 : i32
      %dma_wait3A_42 = tpu.memref_slice %arg3[%dma_wait3A, %mul3A_2] : memref<26x4096xi32, #tpu.memory_space<hbm>> -> memref<26x128xi32, #tpu.memory_space<hbm>>
      %dma_wait3A_43 = arith.constant 0 : i32
      %dma_wait3A_44 = tpu.memref_slice %arg3[%dma_wait3A_43, %mul3A_2] : memref<26x4096xi32, #tpu.memory_space<hbm>> -> memref<26x128xi32, #tpu.memory_space<hbm>>
      tpu.wait_dma2 semaphore(%run_scoped3A_37 : memref<!tpu.dma_semaphore, #tpu.memory_space<semaphore_mem>>) src(%dma_wait3A_44 : memref<26x128xi32, #tpu.memory_space<hbm>>) dst(%arg5 : memref<26x128xi32, #tpu.memory_space<vmem>>)
      tpu.yield
    }) : () -> ()
    %broadcast_in_dim3A = arith.constant 0.000000e+00 : f32
    %broadcast_in_dim3A_3 = vector.broadcast %broadcast_in_dim3A : f32 to vector<16xf32>
    %scan3A = arith.constant 0 : i32
    %scan3A_4 = arith.constant 26 : i32
    %scan3A_5 = arith.addi %scan3A, %scan3A_4 : i32
    %scan3A_6 = arith.constant 1 : i32
    scf.for %scan3A_37 = %scan3A to %scan3A_5 step %scan3A_6  : i32 {
      %mul3A_38 = arith.constant 1 : i32
      %mul3A_39 = arith.muli %scan3A_37, %mul3A_38 : i32
      %add3A_40 = arith.constant 0 : i32
      %add3A_41 = arith.addi %add3A_40, %mul3A_39 : i32
      %get3A = arith.index_cast %add3A_41 : i32 to index
      %get3A_42 = arith.constant 0 : index
      %get3A_43 = tpu.vector_load %arg5[%get3A, %get3A_42] {strides = array<i32>} : memref<26x128xi32, #tpu.memory_space<vmem>>, vector<16xi32>,
      %shift_right_logical3A = arith.constant 1 : i32
      %shift_right_logical3A_44 = vector.broadcast %shift_right_logical3A : i32 to vector<16xi32>
      %shift_right_logical3A_45 = arith.shrui %get3A_43, %shift_right_logical3A_44 : vector<16xi32>
      %swap3A = arith.index_cast %add3A_41 : i32 to index
      %swap3A_46 = arith.constant 0 : index
      %swap3A_47 = tpu.vector_load %arg6[%swap3A, %swap3A_46] {strides = array<i32>} : memref<26x128xi32, #tpu.memory_space<vmem>>, vector<16xi32>,
      tpu.vector_store %arg6[%swap3A, %swap3A_46], %shift_right_logical3A_45 {strides = array<i32>} : memref<26x128xi32, #tpu.memory_space<vmem>>, vector<16xi32>,
      %get3A_48 = arith.index_cast %add3A_41 : i32 to index
      %get3A_49 = arith.constant 16 : index
      %get3A_50 = tpu.vector_load %arg5[%get3A_48, %get3A_49] {strides = array<i32>} : memref<26x128xi32, #tpu.memory_space<vmem>>, vector<16xi32>,
      %shift_right_logical3A_51 = arith.constant 1 : i32
      %shift_right_logical3A_52 = vector.broadcast %shift_right_logical3A_51 : i32 to vector<16xi32>
      %shift_right_logical3A_53 = arith.shrui %get3A_50, %shift_right_logical3A_52 : vector<16xi32>
      %swap3A_54 = arith.index_cast %add3A_41 : i32 to index
      %swap3A_55 = arith.constant 16 : index
      %swap3A_56 = tpu.vector_load %arg6[%swap3A_54, %swap3A_55] {strides = array<i32>} : memref<26x128xi32, #tpu.memory_space<vmem>>, vector<16xi32>,
      tpu.vector_store %arg6[%swap3A_54, %swap3A_55], %shift_right_logical3A_53 {strides = array<i32>} : memref<26x128xi32, #tpu.memory_space<vmem>>, vector<16xi32>,
      %get3A_57 = arith.index_cast %add3A_41 : i32 to index
      %get3A_58 = arith.constant 32 : index
      %get3A_59 = tpu.vector_load %arg5[%get3A_57, %get3A_58] {strides = array<i32>} : memref<26x128xi32, #tpu.memory_space<vmem>>, vector<16xi32>,
      %shift_right_logical3A_60 = arith.constant 1 : i32
      %shift_right_logical3A_61 = vector.broadcast %shift_right_logical3A_60 : i32 to vector<16xi32>
      %shift_right_logical3A_62 = arith.shrui %get3A_59, %shift_right_logical3A_61 : vector<16xi32>
      %swap3A_63 = arith.index_cast %add3A_41 : i32 to index
      %swap3A_64 = arith.constant 32 : index
      %swap3A_65 = tpu.vector_load %arg6[%swap3A_63, %swap3A_64] {strides = array<i32>} : memref<26x128xi32, #tpu.memory_space<vmem>>, vector<16xi32>,
      tpu.vector_store %arg6[%swap3A_63, %swap3A_64], %shift_right_logical3A_62 {strides = array<i32>} : memref<26x128xi32, #tpu.memory_space<vmem>>, vector<16xi32>,
      %get3A_66 = arith.index_cast %add3A_41 : i32 to index
      %get3A_67 = arith.constant 48 : index
      %get3A_68 = tpu.vector_load %arg5[%get3A_66, %get3A_67] {strides = array<i32>} : memref<26x128xi32, #tpu.memory_space<vmem>>, vector<16xi32>,
      %shift_right_logical3A_69 = arith.constant 1 : i32
      %shift_right_logical3A_70 = vector.broadcast %shift_right_logical3A_69 : i32 to vector<16xi32>
      %shift_right_logical3A_71 = arith.shrui %get3A_68, %shift_right_logical3A_70 : vector<16xi32>
      %swap3A_72 = arith.index_cast %add3A_41 : i32 to index
      %swap3A_73 = arith.constant 48 : index
      %swap3A_74 = tpu.vector_load %arg6[%swap3A_72, %swap3A_73] {strides = array<i32>} : memref<26x128xi32, #tpu.memory_space<vmem>>, vector<16xi32>,
      tpu.vector_store %arg6[%swap3A_72, %swap3A_73], %shift_right_logical3A_71 {strides = array<i32>} : memref<26x128xi32, #tpu.memory_space<vmem>>, vector<16xi32>,
      %get3A_75 = arith.index_cast %add3A_41 : i32 to index
      %get3A_76 = arith.constant 64 : index
      %get3A_77 = tpu.vector_load %arg5[%get3A_75, %get3A_76] {strides = array<i32>} : memref<26x128xi32, #tpu.memory_space<vmem>>, vector<16xi32>,
      %shift_right_logical3A_78 = arith.constant 1 : i32
      %shift_right_logical3A_79 = vector.broadcast %shift_right_logical3A_78 : i32 to vector<16xi32>
      %shift_right_logical3A_80 = arith.shrui %get3A_77, %shift_right_logical3A_79 : vector<16xi32>
      %swap3A_81 = arith.index_cast %add3A_41 : i32 to index
      %swap3A_82 = arith.constant 64 : index
      %swap3A_83 = tpu.vector_load %arg6[%swap3A_81, %swap3A_82] {strides = array<i32>} : memref<26x128xi32, #tpu.memory_space<vmem>>, vector<16xi32>,
      tpu.vector_store %arg6[%swap3A_81, %swap3A_82], %shift_right_logical3A_80 {strides = array<i32>} : memref<26x128xi32, #tpu.memory_space<vmem>>, vector<16xi32>,
      %get3A_84 = arith.index_cast %add3A_41 : i32 to index
      %get3A_85 = arith.constant 80 : index
      %get3A_86 = tpu.vector_load %arg5[%get3A_84, %get3A_85] {strides = array<i32>} : memref<26x128xi32, #tpu.memory_space<vmem>>, vector<16xi32>,
      %shift_right_logical3A_87 = arith.constant 1 : i32
      %shift_right_logical3A_88 = vector.broadcast %shift_right_logical3A_87 : i32 to vector<16xi32>
      %shift_right_logical3A_89 = arith.shrui %get3A_86, %shift_right_logical3A_88 : vector<16xi32>
      %swap3A_90 = arith.index_cast %add3A_41 : i32 to index
      %swap3A_91 = arith.constant 80 : index
      %swap3A_92 = tpu.vector_load %arg6[%swap3A_90, %swap3A_91] {strides = array<i32>} : memref<26x128xi32, #tpu.memory_space<vmem>>, vector<16xi32>,
      tpu.vector_store %arg6[%swap3A_90, %swap3A_91], %shift_right_logical3A_89 {strides = array<i32>} : memref<26x128xi32, #tpu.memory_space<vmem>>, vector<16xi32>,
      %get3A_93 = arith.index_cast %add3A_41 : i32 to index
      %get3A_94 = arith.constant 96 : index
      %get3A_95 = tpu.vector_load %arg5[%get3A_93, %get3A_94] {strides = array<i32>} : memref<26x128xi32, #tpu.memory_space<vmem>>, vector<16xi32>,
      %shift_right_logical3A_96 = arith.constant 1 : i32
      %shift_right_logical3A_97 = vector.broadcast %shift_right_logical3A_96 : i32 to vector<16xi32>
      %shift_right_logical3A_98 = arith.shrui %get3A_95, %shift_right_logical3A_97 : vector<16xi32>
      %swap3A_99 = arith.index_cast %add3A_41 : i32 to index
      %swap3A_100 = arith.constant 96 : index
      %swap3A_101 = tpu.vector_load %arg6[%swap3A_99, %swap3A_100] {strides = array<i32>} : memref<26x128xi32, #tpu.memory_space<vmem>>, vector<16xi32>,
      tpu.vector_store %arg6[%swap3A_99, %swap3A_100], %shift_right_logical3A_98 {strides = array<i32>} : memref<26x128xi32, #tpu.memory_space<vmem>>, vector<16xi32>,
      %get3A_102 = arith.index_cast %add3A_41 : i32 to index
      %get3A_103 = arith.constant 112 : index
      %get3A_104 = tpu.vector_load %arg5[%get3A_102, %get3A_103] {strides = array<i32>} : memref<26x128xi32, #tpu.memory_space<vmem>>, vector<16xi32>,
      %shift_right_logical3A_105 = arith.constant 1 : i32
      %shift_right_logical3A_106 = vector.broadcast %shift_right_logical3A_105 : i32 to vector<16xi32>
      %shift_right_logical3A_107 = arith.shrui %get3A_104, %shift_right_logical3A_106 : vector<16xi32>
      %swap3A_108 = arith.index_cast %add3A_41 : i32 to index
      %swap3A_109 = arith.constant 112 : index
      %swap3A_110 = tpu.vector_load %arg6[%swap3A_108, %swap3A_109] {strides = array<i32>} : memref<26x128xi32, #tpu.memory_space<vmem>>, vector<16xi32>,
      tpu.vector_store %arg6[%swap3A_108, %swap3A_109], %shift_right_logical3A_107 {strides = array<i32>} : memref<26x128xi32, #tpu.memory_space<vmem>>, vector<16xi32>,
    }
    %scan3A_7 = arith.constant 26 : i32
    %scan3A_8 = arith.constant 0 : i32
    %scan3A_9 = arith.constant 128 : i32
    %scan3A_10 = arith.addi %scan3A_8, %scan3A_9 : i32
    %scan3A_11 = arith.constant 1 : i32
    scf.for %scan3A_37 = %scan3A_8 to %scan3A_10 step %scan3A_11  : i32 {
      %mul3A_38 = arith.constant 1 : i32
      %mul3A_39 = arith.muli %scan3A_37, %mul3A_38 : i32
      %add3A_40 = arith.constant 0 : i32
      %add3A_41 = arith.addi %add3A_40, %mul3A_39 : i32
      %swap3A = arith.index_cast %add3A_41 : i32 to index
      %swap3A_42 = arith.constant 0 : index
      %swap3A_43 = tpu.vector_load %arg8[%swap3A, %swap3A_42] {strides = array<i32>} : memref<128x64xf32, #tpu.memory_space<vmem>>, vector<16xf32>,
      tpu.vector_store %arg8[%swap3A, %swap3A_42], %broadcast_in_dim3A_3 {strides = array<i32>} : memref<128x64xf32, #tpu.memory_space<vmem>>, vector<16xf32>,
      %swap3A_44 = arith.index_cast %add3A_41 : i32 to index
      %swap3A_45 = arith.constant 0 : index
      %swap3A_46 = tpu.vector_load %arg9[%swap3A_44, %swap3A_45] {strides = array<i32>} : memref<128x64xf32, #tpu.memory_space<vmem>>, vector<16xf32>,
      tpu.vector_store %arg9[%swap3A_44, %swap3A_45], %broadcast_in_dim3A_3 {strides = array<i32>} : memref<128x64xf32, #tpu.memory_space<vmem>>, vector<16xf32>,
      %swap3A_47 = arith.index_cast %add3A_41 : i32 to index
      %swap3A_48 = arith.constant 16 : index
      %swap3A_49 = tpu.vector_load %arg8[%swap3A_47, %swap3A_48] {strides = array<i32>} : memref<128x64xf32, #tpu.memory_space<vmem>>, vector<16xf32>,
      tpu.vector_store %arg8[%swap3A_47, %swap3A_48], %broadcast_in_dim3A_3 {strides = array<i32>} : memref<128x64xf32, #tpu.memory_space<vmem>>, vector<16xf32>,
      %swap3A_50 = arith.index_cast %add3A_41 : i32 to index
      %swap3A_51 = arith.constant 16 : index
      %swap3A_52 = tpu.vector_load %arg9[%swap3A_50, %swap3A_51] {strides = array<i32>} : memref<128x64xf32, #tpu.memory_space<vmem>>, vector<16xf32>,
      tpu.vector_store %arg9[%swap3A_50, %swap3A_51], %broadcast_in_dim3A_3 {strides = array<i32>} : memref<128x64xf32, #tpu.memory_space<vmem>>, vector<16xf32>,
      %swap3A_53 = arith.index_cast %add3A_41 : i32 to index
      %swap3A_54 = arith.constant 32 : index
      %swap3A_55 = tpu.vector_load %arg8[%swap3A_53, %swap3A_54] {strides = array<i32>} : memref<128x64xf32, #tpu.memory_space<vmem>>, vector<16xf32>,
      tpu.vector_store %arg8[%swap3A_53, %swap3A_54], %broadcast_in_dim3A_3 {strides = array<i32>} : memref<128x64xf32, #tpu.memory_space<vmem>>, vector<16xf32>,
      %swap3A_56 = arith.index_cast %add3A_41 : i32 to index
      %swap3A_57 = arith.constant 32 : index
      %swap3A_58 = tpu.vector_load %arg9[%swap3A_56, %swap3A_57] {strides = array<i32>} : memref<128x64xf32, #tpu.memory_space<vmem>>, vector<16xf32>,
      tpu.vector_store %arg9[%swap3A_56, %swap3A_57], %broadcast_in_dim3A_3 {strides = array<i32>} : memref<128x64xf32, #tpu.memory_space<vmem>>, vector<16xf32>,
      %swap3A_59 = arith.index_cast %add3A_41 : i32 to index
      %swap3A_60 = arith.constant 48 : index
      %swap3A_61 = tpu.vector_load %arg8[%swap3A_59, %swap3A_60] {strides = array<i32>} : memref<128x64xf32, #tpu.memory_space<vmem>>, vector<16xf32>,
      tpu.vector_store %arg8[%swap3A_59, %swap3A_60], %broadcast_in_dim3A_3 {strides = array<i32>} : memref<128x64xf32, #tpu.memory_space<vmem>>, vector<16xf32>,
      %swap3A_62 = arith.index_cast %add3A_41 : i32 to index
      %swap3A_63 = arith.constant 48 : index
      %swap3A_64 = tpu.vector_load %arg9[%swap3A_62, %swap3A_63] {strides = array<i32>} : memref<128x64xf32, #tpu.memory_space<vmem>>, vector<16xf32>,
      tpu.vector_store %arg9[%swap3A_62, %swap3A_63], %broadcast_in_dim3A_3 {strides = array<i32>} : memref<128x64xf32, #tpu.memory_space<vmem>>, vector<16xf32>,
    }
    %scan3A_12 = arith.constant 128 : i32
    %dma_start3A = arith.constant 0 : i32
    %dma_start3A_13 = arith.constant 0 : i32
    %dma_start3A_14 = arith.constant 0 : i32
    %dma_start3A_15 = arith.constant 0 : i32
    %dma_start3A_16 = arith.constant 0 : i32
    %dma_start3A_17 = tpu.memref_slice %arg7[%dma_start3A_14, %dma_start3A_15, %dma_start3A_16] : memref<2x128x128xi32, #tpu.memory_space<vmem>> -> memref<1x128x128xi32, #tpu.memory_space<vmem>>
    %dma_start3A_18 = tpu.memref_squeeze %dma_start3A_17 : memref<1x128x128xi32, #tpu.memory_space<vmem>> -> memref<128x128xi32, #tpu.memory_space<vmem>>
    %dma_start3A_19 = arith.constant 0 : i32
    %dma_start3A_20 = tpu.memref_slice %arg6[%dma_start3A_13, %dma_start3A_19] : memref<26x128xi32, #tpu.memory_space<vmem>> -> memref<1x128xi32, #tpu.memory_space<vmem>>
    %dma_start3A_21 = tpu.memref_squeeze %dma_start3A_20 : memref<1x128xi32, #tpu.memory_space<vmem>> -> memref<128xi32, #tpu.memory_space<vmem>>
    %dma_start3A_22 = arith.constant 0 : i32
    %dma_start3A_23 = arith.constant 0 : i32
    %dma_start3A_24 = tpu.memref_slice %arg2[%dma_start3A, %dma_start3A_22, %dma_start3A_23] : memref<13x50000x128xi32, #tpu.memory_space<hbm>> -> memref<1x50000x128xi32, #tpu.memory_space<hbm>>
    %dma_start3A_25 = tpu.memref_squeeze %dma_start3A_24 : memref<1x50000x128xi32, #tpu.memory_space<hbm>> -> memref<50000x128xi32, #tpu.memory_space<hbm>>
    %dma_start3A_26 = arith.constant 0 : i32
    %dma_start3A_27 = arith.constant 0 : i32
    %dma_start3A_28 = tpu.memref_slice %dma_start3A_25[%dma_start3A_26, %dma_start3A_27] : memref<50000x128xi32, #tpu.memory_space<hbm>> -> memref<50000x128xi32, #tpu.memory_space<hbm>>
    tpu.enqueue_indirect_dma source(%dma_start3A_28 : memref<50000x128xi32, #tpu.memory_space<hbm>>) target(%dma_start3A_18 : memref<128x128xi32, #tpu.memory_space<vmem>>) offsets(%dma_start3A_21 : memref<128xi32, #tpu.memory_space<vmem>>) semaphore(%arg10 : memref<!tpu.dma_semaphore, #tpu.memory_space<semaphore_mem>>)
    %broadcast_in_dim3A_29 = arith.constant -65536 : i32
    %broadcast_in_dim3A_30 = vector.broadcast %broadcast_in_dim3A_29 : i32 to vector<16xi32>
    %scan3A_31 = arith.constant 0 : i32
    %scan3A_32 = arith.constant 26 : i32
    %scan3A_33 = arith.addi %scan3A_31, %scan3A_32 : i32
    %scan3A_34 = arith.constant 1 : i32
    scf.for %scan3A_37 = %scan3A_31 to %scan3A_33 step %scan3A_34  : i32 {
      %mul3A_38 = arith.constant 1 : i32
      %mul3A_39 = arith.muli %scan3A_37, %mul3A_38 : i32
      %add3A_40 = arith.constant 0 : i32
      %add3A_41 = arith.addi %add3A_40, %mul3A_39 : i32
      %rem3A = arith.constant 2 : i32
      %rem3A_42 = arith.remsi %add3A_41, %rem3A : i32
      %eq3A = arith.constant 0 : i32
      %eq3A_43 = arith.cmpi eq, %rem3A_42, %eq3A : i32
      %convert_element_type3A = arith.extui %eq3A_43 : i1 to i32
      %cond3A = arith.constant 0 : i32
      %cond3A_44 = arith.cmpi ne, %convert_element_type3A, %cond3A : i32
      scf.if %cond3A_44 {
        %jit3A = arith.constant 2 : i32
        %div3A = arith.divsi %add3A_41, %jit3A : i32
        %sign3A = arith.constant 0 : i32
        %sign3A_50 = arith.cmpi sgt, %add3A_41, %sign3A : i32
        %sign3A_51 = arith.extui %sign3A_50 : i1 to i32
        %sign3A_52 = arith.constant 0 : i32
        %sign3A_53 = arith.cmpi slt, %add3A_41, %sign3A_52 : i32
        %sign3A_54 = arith.extui %sign3A_53 : i1 to i32
        %sign3A_55 = arith.subi %sign3A_51, %sign3A_54 : i32
        %sign3A_56 = arith.constant 0 : i32
        %sign3A_57 = arith.cmpi sgt, %jit3A, %sign3A_56 : i32
        %sign3A_58 = arith.extui %sign3A_57 : i1 to i32
        %sign3A_59 = arith.constant 0 : i32
        %sign3A_60 = arith.cmpi slt, %jit3A, %sign3A_59 : i32
        %sign3A_61 = arith.extui %sign3A_60 : i1 to i32
        %sign3A_62 = arith.subi %sign3A_58, %sign3A_61 : i32
        %ne3A = arith.cmpi ne, %sign3A_55, %sign3A_62 : i32
        %rem3A_63 = arith.remsi %add3A_41, %jit3A : i32
        %ne3A_64 = arith.constant 0 : i32
        %ne3A_65 = arith.cmpi ne, %rem3A_63, %ne3A_64 : i32
        %and3A = arith.andi %ne3A, %ne3A_65 : i1
        %sub3A = arith.constant 1 : i32
        %sub3A_66 = arith.subi %div3A, %sub3A : i32
        %select_n3A = arith.select %and3A, %sub3A_66, %div3A : i32
        %dma_wait3A = arith.constant 0 : i32
        %dma_wait3A_67 = arith.constant 0 : i32
        %dma_wait3A_68 = arith.constant 0 : i32
        %dma_wait3A_69 = tpu.memref_slice %arg7[%dma_wait3A, %dma_wait3A_67, %dma_wait3A_68] : memref<2x128x128xi32, #tpu.memory_space<vmem>> -> memref<1x128x128xi32, #tpu.memory_space<vmem>>
        %dma_wait3A_70 = tpu.memref_squeeze %dma_wait3A_69 : memref<1x128x128xi32, #tpu.memory_space<vmem>> -> memref<128x128xi32, #tpu.memory_space<vmem>>
        %dma_wait3A_71 = arith.constant 0 : i32
        %dma_wait3A_72 = tpu.memref_slice %arg6[%add3A_41, %dma_wait3A_71] : memref<26x128xi32, #tpu.memory_space<vmem>> -> memref<1x128xi32, #tpu.memory_space<vmem>>
        %dma_wait3A_73 = tpu.memref_squeeze %dma_wait3A_72 : memref<1x128xi32, #tpu.memory_space<vmem>> -> memref<128xi32, #tpu.memory_space<vmem>>
        %dma_wait3A_74 = arith.constant 0 : i32
        %dma_wait3A_75 = arith.constant 0 : i32
        %dma_wait3A_76 = tpu.memref_slice %arg2[%select_n3A, %dma_wait3A_74, %dma_wait3A_75] : memref<13x50000x128xi32, #tpu.memory_space<hbm>> -> memref<1x50000x128xi32, #tpu.memory_space<hbm>>
        %dma_wait3A_77 = tpu.memref_squeeze %dma_wait3A_76 : memref<1x50000x128xi32, #tpu.memory_space<hbm>> -> memref<50000x128xi32, #tpu.memory_space<hbm>>
        %dma_wait3A_78 = arith.constant 0 : i32
        %dma_wait3A_79 = arith.constant 0 : i32
        %dma_wait3A_80 = tpu.memref_slice %dma_wait3A_77[%dma_wait3A_78, %dma_wait3A_79] : memref<50000x128xi32, #tpu.memory_space<hbm>> -> memref<50000x128xi32, #tpu.memory_space<hbm>>
        tpu.wait_indirect_dma semaphore(%arg10 : memref<!tpu.dma_semaphore, #tpu.memory_space<semaphore_mem>>) src(%dma_wait3A_80 : memref<50000x128xi32, #tpu.memory_space<hbm>>) dst(%dma_wait3A_70 : memref<128x128xi32, #tpu.memory_space<vmem>>)
        %add3A_81 = arith.constant 1 : i32
        %add3A_82 = arith.addi %add3A_41, %add3A_81 : i32
        %lt3A = arith.constant 26 : i32
        %lt3A_83 = arith.cmpi slt, %add3A_82, %lt3A : i32
        %convert_element_type3A_84 = arith.extui %lt3A_83 : i1 to i32
        %cond3A_85 = arith.constant 0 : i32
        %cond3A_86 = arith.cmpi ne, %convert_element_type3A_84, %cond3A_85 : i32
        scf.if %cond3A_86 {
          %add3A_93 = arith.constant 1 : i32
          %add3A_94 = arith.addi %add3A_41, %add3A_93 : i32
          %jit3A_95 = arith.constant 2 : i32
          %div3A_96 = arith.divsi %add3A_94, %jit3A_95 : i32
          %sign3A_97 = arith.constant 0 : i32
          %sign3A_98 = arith.cmpi sgt, %add3A_94, %sign3A_97 : i32
          %sign3A_99 = arith.extui %sign3A_98 : i1 to i32
          %sign3A_100 = arith.constant 0 : i32
          %sign3A_101 = arith.cmpi slt, %add3A_94, %sign3A_100 : i32
          %sign3A_102 = arith.extui %sign3A_101 : i1 to i32
          %sign3A_103 = arith.subi %sign3A_99, %sign3A_102 : i32
          %sign3A_104 = arith.constant 0 : i32
          %sign3A_105 = arith.cmpi sgt, %jit3A_95, %sign3A_104 : i32
          %sign3A_106 = arith.extui %sign3A_105 : i1 to i32
          %sign3A_107 = arith.constant 0 : i32
          %sign3A_108 = arith.cmpi slt, %jit3A_95, %sign3A_107 : i32
          %sign3A_109 = arith.extui %sign3A_108 : i1 to i32
          %sign3A_110 = arith.subi %sign3A_106, %sign3A_109 : i32
          %ne3A_111 = arith.cmpi ne, %sign3A_103, %sign3A_110 : i32
          %rem3A_112 = arith.remsi %add3A_94, %jit3A_95 : i32
          %ne3A_113 = arith.constant 0 : i32
          %ne3A_114 = arith.cmpi ne, %rem3A_112, %ne3A_113 : i32
          %and3A_115 = arith.andi %ne3A_111, %ne3A_114 : i1
          %sub3A_116 = arith.constant 1 : i32
          %sub3A_117 = arith.subi %div3A_96, %sub3A_116 : i32
          %select_n3A_118 = arith.select %and3A_115, %sub3A_117, %div3A_96 : i32
          %dma_start3A_119 = arith.constant 1 : i32
          %dma_start3A_120 = arith.constant 0 : i32
          %dma_start3A_121 = arith.constant 0 : i32
          %dma_start3A_122 = tpu.memref_slice %arg7[%dma_start3A_119, %dma_start3A_120, %dma_start3A_121] : memref<2x128x128xi32, #tpu.memory_space<vmem>> -> memref<1x128x128xi32, #tpu.memory_space<vmem>>
          %dma_start3A_123 = tpu.memref_squeeze %dma_start3A_122 : memref<1x128x128xi32, #tpu.memory_space<vmem>> -> memref<128x128xi32, #tpu.memory_space<vmem>>
          %dma_start3A_124 = arith.constant 0 : i32
          %dma_start3A_125 = tpu.memref_slice %arg6[%add3A_94, %dma_start3A_124] : memref<26x128xi32, #tpu.memory_space<vmem>> -> memref<1x128xi32, #tpu.memory_space<vmem>>
          %dma_start3A_126 = tpu.memref_squeeze %dma_start3A_125 : memref<1x128xi32, #tpu.memory_space<vmem>> -> memref<128xi32, #tpu.memory_space<vmem>>
          %dma_start3A_127 = arith.constant 0 : i32
          %dma_start3A_128 = arith.constant 0 : i32
          %dma_start3A_129 = tpu.memref_slice %arg2[%select_n3A_118, %dma_start3A_127, %dma_start3A_128] : memref<13x50000x128xi32, #tpu.memory_space<hbm>> -> memref<1x50000x128xi32, #tpu.memory_space<hbm>>
          %dma_start3A_130 = tpu.memref_squeeze %dma_start3A_129 : memref<1x50000x128xi32, #tpu.memory_space<hbm>> -> memref<50000x128xi32, #tpu.memory_space<hbm>>
          %dma_start3A_131 = arith.constant 0 : i32
          %dma_start3A_132 = arith.constant 0 : i32
          %dma_start3A_133 = tpu.memref_slice %dma_start3A_130[%dma_start3A_131, %dma_start3A_132] : memref<50000x128xi32, #tpu.memory_space<hbm>> -> memref<50000x128xi32, #tpu.memory_space<hbm>>
          tpu.enqueue_indirect_dma source(%dma_start3A_133 : memref<50000x128xi32, #tpu.memory_space<hbm>>) target(%dma_start3A_123 : memref<128x128xi32, #tpu.memory_space<vmem>>) offsets(%dma_start3A_126 : memref<128xi32, #tpu.memory_space<vmem>>) semaphore(%arg11 : memref<!tpu.dma_semaphore, #tpu.memory_space<semaphore_mem>>)
        } else {
        }
        %scan3A_87 = arith.constant 0 : i32
        %scan3A_88 = arith.constant 0 : i32
        %scan3A_89 = arith.constant 128 : i32
        %scan3A_90 = arith.addi %scan3A_88, %scan3A_89 : i32
        %scan3A_91 = arith.constant 1 : i32
        scf.for %scan3A_93 = %scan3A_88 to %scan3A_90 step %scan3A_91  : i32 {
          %mul3A_94 = arith.constant 1 : i32
          %mul3A_95 = arith.muli %scan3A_93, %mul3A_94 : i32
          %add3A_96 = arith.constant 0 : i32
          %add3A_97 = arith.addi %add3A_96, %mul3A_95 : i32
          %broadcast_in_dim3A_98 = vector.broadcast %add3A_41 : i32 to vector<16xi32>
          %broadcast_in_dim3A_99 = vector.broadcast %add3A_97 : i32 to vector<16xi32>
          %gather3A = tpu.vector_load_idx %arg5[%broadcast_in_dim3A_98, %broadcast_in_dim3A_99] : memref<26x128xi32, #tpu.memory_space<vmem>>[vector<16xi32>, vector<16xi32>], vector<16xi32>,
          %rem3A_100 = arith.constant 2 : i32
          %rem3A_101 = vector.broadcast %rem3A_100 : i32 to vector<16xi32>
          %rem3A_102 = arith.remsi %gather3A, %rem3A_101 : vector<16xi32>
          %eq3A_103 = arith.constant 1 : i32
          %eq3A_104 = vector.broadcast %eq3A_103 : i32 to vector<16xi32>
          %eq3A_105 = arith.cmpi eq, %rem3A_102, %eq3A_104 : vector<16xi32>
          %get3A = arith.constant 0 : i32
          %get3A_106 = arith.constant 0 : i32
          %get3A_107 = tpu.memref_slice %arg7[%scan3A_87, %get3A, %get3A_106] : memref<2x128x128xi32, #tpu.memory_space<vmem>> -> memref<1x128x128xi32, #tpu.memory_space<vmem>>
          %get3A_108 = tpu.memref_squeeze %get3A_107 : memref<1x128x128xi32, #tpu.memory_space<vmem>> -> memref<128x128xi32, #tpu.memory_space<vmem>>
          %get3A_109 = arith.index_cast %add3A_97 : i32 to index
          %get3A_110 = arith.constant 0 : index
          %get3A_111 = tpu.vector_load %get3A_108[%get3A_109, %get3A_110] {strides = array<i32>} : memref<128x128xi32, #tpu.memory_space<vmem>>, vector<16xi32>,
          %shift_left3A = arith.constant 16 : i32
          %shift_left3A_112 = vector.broadcast %shift_left3A : i32 to vector<16xi32>
          %shift_left3A_113 = arith.shli %get3A_111, %shift_left3A_112 : vector<16xi32>
          %bitcast3A = vector.bitcast %shift_left3A_113 : vector<16xi32> to vector<16xf32>
          %and3A_114 = arith.andi %get3A_111, %broadcast_in_dim3A_30 : vector<16xi32>
          %bitcast3A_115 = vector.bitcast %and3A_114 : vector<16xi32> to vector<16xf32>
          %select_n3A_116 = arith.select %eq3A_105, %bitcast3A, %bitcast3A_115 : vector<16xi1>, vector<16xf32>
          %swap3A = arith.index_cast %add3A_97 : i32 to index
          %swap3A_117 = arith.constant 0 : index
          %swap3A_118 = tpu.vector_load %arg8[%swap3A, %swap3A_117] {strides = array<i32>} : memref<128x64xf32, #tpu.memory_space<vmem>>, vector<16xf32>,
          tpu.vector_store %arg8[%swap3A, %swap3A_117], %select_n3A_116 {add = true, strides = array<i32>} : memref<128x64xf32, #tpu.memory_space<vmem>>, vector<16xf32>,
          %mul3A_119 = arith.mulf %select_n3A_116, %select_n3A_116 : vector<16xf32>
          %swap3A_120 = arith.index_cast %add3A_97 : i32 to index
          %swap3A_121 = arith.constant 0 : index
          %swap3A_122 = tpu.vector_load %arg9[%swap3A_120, %swap3A_121] {strides = array<i32>} : memref<128x64xf32, #tpu.memory_space<vmem>>, vector<16xf32>,
          tpu.vector_store %arg9[%swap3A_120, %swap3A_121], %mul3A_119 {add = true, strides = array<i32>} : memref<128x64xf32, #tpu.memory_space<vmem>>, vector<16xf32>,
          %get3A_123 = arith.constant 0 : i32
          %get3A_124 = arith.constant 0 : i32
          %get3A_125 = tpu.memref_slice %arg7[%scan3A_87, %get3A_123, %get3A_124] : memref<2x128x128xi32, #tpu.memory_space<vmem>> -> memref<1x128x128xi32, #tpu.memory_space<vmem>>
          %get3A_126 = tpu.memref_squeeze %get3A_125 : memref<1x128x128xi32, #tpu.memory_space<vmem>> -> memref<128x128xi32, #tpu.memory_space<vmem>>
          %get3A_127 = arith.index_cast %add3A_97 : i32 to index
          %get3A_128 = arith.constant 16 : index
          %get3A_129 = tpu.vector_load %get3A_126[%get3A_127, %get3A_128] {strides = array<i32>} : memref<128x128xi32, #tpu.memory_space<vmem>>, vector<16xi32>,
          %shift_left3A_130 = arith.constant 16 : i32
          %shift_left3A_131 = vector.broadcast %shift_left3A_130 : i32 to vector<16xi32>
          %shift_left3A_132 = arith.shli %get3A_129, %shift_left3A_131 : vector<16xi32>
          %bitcast3A_133 = vector.bitcast %shift_left3A_132 : vector<16xi32> to vector<16xf32>
          %and3A_134 = arith.andi %get3A_129, %broadcast_in_dim3A_30 : vector<16xi32>
          %bitcast3A_135 = vector.bitcast %and3A_134 : vector<16xi32> to vector<16xf32>
          %select_n3A_136 = arith.select %eq3A_105, %bitcast3A_133, %bitcast3A_135 : vector<16xi1>, vector<16xf32>
          %swap3A_137 = arith.index_cast %add3A_97 : i32 to index
          %swap3A_138 = arith.constant 16 : index
          %swap3A_139 = tpu.vector_load %arg8[%swap3A_137, %swap3A_138] {strides = array<i32>} : memref<128x64xf32, #tpu.memory_space<vmem>>, vector<16xf32>,
          tpu.vector_store %arg8[%swap3A_137, %swap3A_138], %select_n3A_136 {add = true, strides = array<i32>} : memref<128x64xf32, #tpu.memory_space<vmem>>, vector<16xf32>,
          %mul3A_140 = arith.mulf %select_n3A_136, %select_n3A_136 : vector<16xf32>
          %swap3A_141 = arith.index_cast %add3A_97 : i32 to index
          %swap3A_142 = arith.constant 16 : index
          %swap3A_143 = tpu.vector_load %arg9[%swap3A_141, %swap3A_142] {strides = array<i32>} : memref<128x64xf32, #tpu.memory_space<vmem>>, vector<16xf32>,
          tpu.vector_store %arg9[%swap3A_141, %swap3A_142], %mul3A_140 {add = true, strides = array<i32>} : memref<128x64xf32, #tpu.memory_space<vmem>>, vector<16xf32>,
          %get3A_144 = arith.constant 0 : i32
          %get3A_145 = arith.constant 0 : i32
          %get3A_146 = tpu.memref_slice %arg7[%scan3A_87, %get3A_144, %get3A_145] : memref<2x128x128xi32, #tpu.memory_space<vmem>> -> memref<1x128x128xi32, #tpu.memory_space<vmem>>
          %get3A_147 = tpu.memref_squeeze %get3A_146 : memref<1x128x128xi32, #tpu.memory_space<vmem>> -> memref<128x128xi32, #tpu.memory_space<vmem>>
          %get3A_148 = arith.index_cast %add3A_97 : i32 to index
          %get3A_149 = arith.constant 32 : index
          %get3A_150 = tpu.vector_load %get3A_147[%get3A_148, %get3A_149] {strides = array<i32>} : memref<128x128xi32, #tpu.memory_space<vmem>>, vector<16xi32>,
          %shift_left3A_151 = arith.constant 16 : i32
          %shift_left3A_152 = vector.broadcast %shift_left3A_151 : i32 to vector<16xi32>
          %shift_left3A_153 = arith.shli %get3A_150, %shift_left3A_152 : vector<16xi32>
          %bitcast3A_154 = vector.bitcast %shift_left3A_153 : vector<16xi32> to vector<16xf32>
          %and3A_155 = arith.andi %get3A_150, %broadcast_in_dim3A_30 : vector<16xi32>
          %bitcast3A_156 = vector.bitcast %and3A_155 : vector<16xi32> to vector<16xf32>
          %select_n3A_157 = arith.select %eq3A_105, %bitcast3A_154, %bitcast3A_156 : vector<16xi1>, vector<16xf32>
          %swap3A_158 = arith.index_cast %add3A_97 : i32 to index
          %swap3A_159 = arith.constant 32 : index
          %swap3A_160 = tpu.vector_load %arg8[%swap3A_158, %swap3A_159] {strides = array<i32>} : memref<128x64xf32, #tpu.memory_space<vmem>>, vector<16xf32>,
          tpu.vector_store %arg8[%swap3A_158, %swap3A_159], %select_n3A_157 {add = true, strides = array<i32>} : memref<128x64xf32, #tpu.memory_space<vmem>>, vector<16xf32>,
          %mul3A_161 = arith.mulf %select_n3A_157, %select_n3A_157 : vector<16xf32>
          %swap3A_162 = arith.index_cast %add3A_97 : i32 to index
          %swap3A_163 = arith.constant 32 : index
          %swap3A_164 = tpu.vector_load %arg9[%swap3A_162, %swap3A_163] {strides = array<i32>} : memref<128x64xf32, #tpu.memory_space<vmem>>, vector<16xf32>,
          tpu.vector_store %arg9[%swap3A_162, %swap3A_163], %mul3A_161 {add = true, strides = array<i32>} : memref<128x64xf32, #tpu.memory_space<vmem>>, vector<16xf32>,
          %get3A_165 = arith.constant 0 : i32
          %get3A_166 = arith.constant 0 : i32
          %get3A_167 = tpu.memref_slice %arg7[%scan3A_87, %get3A_165, %get3A_166] : memref<2x128x128xi32, #tpu.memory_space<vmem>> -> memref<1x128x128xi32, #tpu.memory_space<vmem>>
          %get3A_168 = tpu.memref_squeeze %get3A_167 : memref<1x128x128xi32, #tpu.memory_space<vmem>> -> memref<128x128xi32, #tpu.memory_space<vmem>>
          %get3A_169 = arith.index_cast %add3A_97 : i32 to index
          %get3A_170 = arith.constant 48 : index
          %get3A_171 = tpu.vector_load %get3A_168[%get3A_169, %get3A_170] {strides = array<i32>} : memref<128x128xi32, #tpu.memory_space<vmem>>, vector<16xi32>,
          %shift_left3A_172 = arith.constant 16 : i32
          %shift_left3A_173 = vector.broadcast %shift_left3A_172 : i32 to vector<16xi32>
          %shift_left3A_174 = arith.shli %get3A_171, %shift_left3A_173 : vector<16xi32>
          %bitcast3A_175 = vector.bitcast %shift_left3A_174 : vector<16xi32> to vector<16xf32>
          %and3A_176 = arith.andi %get3A_171, %broadcast_in_dim3A_30 : vector<16xi32>
          %bitcast3A_177 = vector.bitcast %and3A_176 : vector<16xi32> to vector<16xf32>
          %select_n3A_178 = arith.select %eq3A_105, %bitcast3A_175, %bitcast3A_177 : vector<16xi1>, vector<16xf32>
          %swap3A_179 = arith.index_cast %add3A_97 : i32 to index
          %swap3A_180 = arith.constant 48 : index
          %swap3A_181 = tpu.vector_load %arg8[%swap3A_179, %swap3A_180] {strides = array<i32>} : memref<128x64xf32, #tpu.memory_space<vmem>>, vector<16xf32>,
          tpu.vector_store %arg8[%swap3A_179, %swap3A_180], %select_n3A_178 {add = true, strides = array<i32>} : memref<128x64xf32, #tpu.memory_space<vmem>>, vector<16xf32>,
          %mul3A_182 = arith.mulf %select_n3A_178, %select_n3A_178 : vector<16xf32>
          %swap3A_183 = arith.index_cast %add3A_97 : i32 to index
          %swap3A_184 = arith.constant 48 : index
          %swap3A_185 = tpu.vector_load %arg9[%swap3A_183, %swap3A_184] {strides = array<i32>} : memref<128x64xf32, #tpu.memory_space<vmem>>, vector<16xf32>,
          tpu.vector_store %arg9[%swap3A_183, %swap3A_184], %mul3A_182 {add = true, strides = array<i32>} : memref<128x64xf32, #tpu.memory_space<vmem>>, vector<16xf32>,
        }
        %scan3A_92 = arith.constant 128 : i32
      } else {
      }
      %eq3A_45 = arith.constant 1 : i32
      %eq3A_46 = arith.cmpi eq, %rem3A_42, %eq3A_45 : i32
      %convert_element_type3A_47 = arith.extui %eq3A_46 : i1 to i32
      %cond3A_48 = arith.constant 0 : i32
      %cond3A_49 = arith.cmpi ne, %convert_element_type3A_47, %cond3A_48 : i32
      scf.if %cond3A_49 {
        %jit3A = arith.constant 2 : i32
        %div3A = arith.divsi %add3A_41, %jit3A : i32
        %sign3A = arith.constant 0 : i32
        %sign3A_50 = arith.cmpi sgt, %add3A_41, %sign3A : i32
        %sign3A_51 = arith.extui %sign3A_50 : i1 to i32
        %sign3A_52 = arith.constant 0 : i32
        %sign3A_53 = arith.cmpi slt, %add3A_41, %sign3A_52 : i32
        %sign3A_54 = arith.extui %sign3A_53 : i1 to i32
        %sign3A_55 = arith.subi %sign3A_51, %sign3A_54 : i32
        %sign3A_56 = arith.constant 0 : i32
        %sign3A_57 = arith.cmpi sgt, %jit3A, %sign3A_56 : i32
        %sign3A_58 = arith.extui %sign3A_57 : i1 to i32
        %sign3A_59 = arith.constant 0 : i32
        %sign3A_60 = arith.cmpi slt, %jit3A, %sign3A_59 : i32
        %sign3A_61 = arith.extui %sign3A_60 : i1 to i32
        %sign3A_62 = arith.subi %sign3A_58, %sign3A_61 : i32
        %ne3A = arith.cmpi ne, %sign3A_55, %sign3A_62 : i32
        %rem3A_63 = arith.remsi %add3A_41, %jit3A : i32
        %ne3A_64 = arith.constant 0 : i32
        %ne3A_65 = arith.cmpi ne, %rem3A_63, %ne3A_64 : i32
        %and3A = arith.andi %ne3A, %ne3A_65 : i1
        %sub3A = arith.constant 1 : i32
        %sub3A_66 = arith.subi %div3A, %sub3A : i32
        %select_n3A = arith.select %and3A, %sub3A_66, %div3A : i32
        %dma_wait3A = arith.constant 1 : i32
        %dma_wait3A_67 = arith.constant 0 : i32
        %dma_wait3A_68 = arith.constant 0 : i32
        %dma_wait3A_69 = tpu.memref_slice %arg7[%dma_wait3A, %dma_wait3A_67, %dma_wait3A_68] : memref<2x128x128xi32, #tpu.memory_space<vmem>> -> memref<1x128x128xi32, #tpu.memory_space<vmem>>
        %dma_wait3A_70 = tpu.memref_squeeze %dma_wait3A_69 : memref<1x128x128xi32, #tpu.memory_space<vmem>> -> memref<128x128xi32, #tpu.memory_space<vmem>>
        %dma_wait3A_71 = arith.constant 0 : i32
        %dma_wait3A_72 = tpu.memref_slice %arg6[%add3A_41, %dma_wait3A_71] : memref<26x128xi32, #tpu.memory_space<vmem>> -> memref<1x128xi32, #tpu.memory_space<vmem>>
        %dma_wait3A_73 = tpu.memref_squeeze %dma_wait3A_72 : memref<1x128xi32, #tpu.memory_space<vmem>> -> memref<128xi32, #tpu.memory_space<vmem>>
        %dma_wait3A_74 = arith.constant 0 : i32
        %dma_wait3A_75 = arith.constant 0 : i32
        %dma_wait3A_76 = tpu.memref_slice %arg2[%select_n3A, %dma_wait3A_74, %dma_wait3A_75] : memref<13x50000x128xi32, #tpu.memory_space<hbm>> -> memref<1x50000x128xi32, #tpu.memory_space<hbm>>
        %dma_wait3A_77 = tpu.memref_squeeze %dma_wait3A_76 : memref<1x50000x128xi32, #tpu.memory_space<hbm>> -> memref<50000x128xi32, #tpu.memory_space<hbm>>
        %dma_wait3A_78 = arith.constant 0 : i32
        %dma_wait3A_79 = arith.constant 0 : i32
        %dma_wait3A_80 = tpu.memref_slice %dma_wait3A_77[%dma_wait3A_78, %dma_wait3A_79] : memref<50000x128xi32, #tpu.memory_space<hbm>> -> memref<50000x128xi32, #tpu.memory_space<hbm>>
        tpu.wait_indirect_dma semaphore(%arg11 : memref<!tpu.dma_semaphore, #tpu.memory_space<semaphore_mem>>) src(%dma_wait3A_80 : memref<50000x128xi32, #tpu.memory_space<hbm>>) dst(%dma_wait3A_70 : memref<128x128xi32, #tpu.memory_space<vmem>>)
        %add3A_81 = arith.constant 1 : i32
        %add3A_82 = arith.addi %add3A_41, %add3A_81 : i32
        %lt3A = arith.constant 26 : i32
        %lt3A_83 = arith.cmpi slt, %add3A_82, %lt3A : i32
        %convert_element_type3A_84 = arith.extui %lt3A_83 : i1 to i32
        %cond3A_85 = arith.constant 0 : i32
        %cond3A_86 = arith.cmpi ne, %convert_element_type3A_84, %cond3A_85 : i32
        scf.if %cond3A_86 {
          %add3A_93 = arith.constant 1 : i32
          %add3A_94 = arith.addi %add3A_41, %add3A_93 : i32
          %jit3A_95 = arith.constant 2 : i32
          %div3A_96 = arith.divsi %add3A_94, %jit3A_95 : i32
          %sign3A_97 = arith.constant 0 : i32
          %sign3A_98 = arith.cmpi sgt, %add3A_94, %sign3A_97 : i32
          %sign3A_99 = arith.extui %sign3A_98 : i1 to i32
          %sign3A_100 = arith.constant 0 : i32
          %sign3A_101 = arith.cmpi slt, %add3A_94, %sign3A_100 : i32
          %sign3A_102 = arith.extui %sign3A_101 : i1 to i32
          %sign3A_103 = arith.subi %sign3A_99, %sign3A_102 : i32
          %sign3A_104 = arith.constant 0 : i32
          %sign3A_105 = arith.cmpi sgt, %jit3A_95, %sign3A_104 : i32
          %sign3A_106 = arith.extui %sign3A_105 : i1 to i32
          %sign3A_107 = arith.constant 0 : i32
          %sign3A_108 = arith.cmpi slt, %jit3A_95, %sign3A_107 : i32
          %sign3A_109 = arith.extui %sign3A_108 : i1 to i32
          %sign3A_110 = arith.subi %sign3A_106, %sign3A_109 : i32
          %ne3A_111 = arith.cmpi ne, %sign3A_103, %sign3A_110 : i32
          %rem3A_112 = arith.remsi %add3A_94, %jit3A_95 : i32
          %ne3A_113 = arith.constant 0 : i32
          %ne3A_114 = arith.cmpi ne, %rem3A_112, %ne3A_113 : i32
          %and3A_115 = arith.andi %ne3A_111, %ne3A_114 : i1
          %sub3A_116 = arith.constant 1 : i32
          %sub3A_117 = arith.subi %div3A_96, %sub3A_116 : i32
          %select_n3A_118 = arith.select %and3A_115, %sub3A_117, %div3A_96 : i32
          %dma_start3A_119 = arith.constant 0 : i32
          %dma_start3A_120 = arith.constant 0 : i32
          %dma_start3A_121 = arith.constant 0 : i32
          %dma_start3A_122 = tpu.memref_slice %arg7[%dma_start3A_119, %dma_start3A_120, %dma_start3A_121] : memref<2x128x128xi32, #tpu.memory_space<vmem>> -> memref<1x128x128xi32, #tpu.memory_space<vmem>>
          %dma_start3A_123 = tpu.memref_squeeze %dma_start3A_122 : memref<1x128x128xi32, #tpu.memory_space<vmem>> -> memref<128x128xi32, #tpu.memory_space<vmem>>
          %dma_start3A_124 = arith.constant 0 : i32
          %dma_start3A_125 = tpu.memref_slice %arg6[%add3A_94, %dma_start3A_124] : memref<26x128xi32, #tpu.memory_space<vmem>> -> memref<1x128xi32, #tpu.memory_space<vmem>>
          %dma_start3A_126 = tpu.memref_squeeze %dma_start3A_125 : memref<1x128xi32, #tpu.memory_space<vmem>> -> memref<128xi32, #tpu.memory_space<vmem>>
          %dma_start3A_127 = arith.constant 0 : i32
          %dma_start3A_128 = arith.constant 0 : i32
          %dma_start3A_129 = tpu.memref_slice %arg2[%select_n3A_118, %dma_start3A_127, %dma_start3A_128] : memref<13x50000x128xi32, #tpu.memory_space<hbm>> -> memref<1x50000x128xi32, #tpu.memory_space<hbm>>
          %dma_start3A_130 = tpu.memref_squeeze %dma_start3A_129 : memref<1x50000x128xi32, #tpu.memory_space<hbm>> -> memref<50000x128xi32, #tpu.memory_space<hbm>>
          %dma_start3A_131 = arith.constant 0 : i32
          %dma_start3A_132 = arith.constant 0 : i32
          %dma_start3A_133 = tpu.memref_slice %dma_start3A_130[%dma_start3A_131, %dma_start3A_132] : memref<50000x128xi32, #tpu.memory_space<hbm>> -> memref<50000x128xi32, #tpu.memory_space<hbm>>
          tpu.enqueue_indirect_dma source(%dma_start3A_133 : memref<50000x128xi32, #tpu.memory_space<hbm>>) target(%dma_start3A_123 : memref<128x128xi32, #tpu.memory_space<vmem>>) offsets(%dma_start3A_126 : memref<128xi32, #tpu.memory_space<vmem>>) semaphore(%arg10 : memref<!tpu.dma_semaphore, #tpu.memory_space<semaphore_mem>>)
        } else {
        }
        %scan3A_87 = arith.constant 1 : i32
        %scan3A_88 = arith.constant 0 : i32
        %scan3A_89 = arith.constant 128 : i32
        %scan3A_90 = arith.addi %scan3A_88, %scan3A_89 : i32
        %scan3A_91 = arith.constant 1 : i32
        scf.for %scan3A_93 = %scan3A_88 to %scan3A_90 step %scan3A_91  : i32 {
          %mul3A_94 = arith.constant 1 : i32
          %mul3A_95 = arith.muli %scan3A_93, %mul3A_94 : i32
          %add3A_96 = arith.constant 0 : i32
          %add3A_97 = arith.addi %add3A_96, %mul3A_95 : i32
          %broadcast_in_dim3A_98 = vector.broadcast %add3A_41 : i32 to vector<16xi32>
          %broadcast_in_dim3A_99 = vector.broadcast %add3A_97 : i32 to vector<16xi32>
          %gather3A = tpu.vector_load_idx %arg5[%broadcast_in_dim3A_98, %broadcast_in_dim3A_99] : memref<26x128xi32, #tpu.memory_space<vmem>>[vector<16xi32>, vector<16xi32>], vector<16xi32>,
          %rem3A_100 = arith.constant 2 : i32
          %rem3A_101 = vector.broadcast %rem3A_100 : i32 to vector<16xi32>
          %rem3A_102 = arith.remsi %gather3A, %rem3A_101 : vector<16xi32>
          %eq3A_103 = arith.constant 1 : i32
          %eq3A_104 = vector.broadcast %eq3A_103 : i32 to vector<16xi32>
          %eq3A_105 = arith.cmpi eq, %rem3A_102, %eq3A_104 : vector<16xi32>
          %get3A = arith.constant 0 : i32
          %get3A_106 = arith.constant 0 : i32
          %get3A_107 = tpu.memref_slice %arg7[%scan3A_87, %get3A, %get3A_106] : memref<2x128x128xi32, #tpu.memory_space<vmem>> -> memref<1x128x128xi32, #tpu.memory_space<vmem>>
          %get3A_108 = tpu.memref_squeeze %get3A_107 : memref<1x128x128xi32, #tpu.memory_space<vmem>> -> memref<128x128xi32, #tpu.memory_space<vmem>>
          %get3A_109 = arith.index_cast %add3A_97 : i32 to index
          %get3A_110 = arith.constant 64 : index
          %get3A_111 = tpu.vector_load %get3A_108[%get3A_109, %get3A_110] {strides = array<i32>} : memref<128x128xi32, #tpu.memory_space<vmem>>, vector<16xi32>,
          %shift_left3A = arith.constant 16 : i32
          %shift_left3A_112 = vector.broadcast %shift_left3A : i32 to vector<16xi32>
          %shift_left3A_113 = arith.shli %get3A_111, %shift_left3A_112 : vector<16xi32>
          %bitcast3A = vector.bitcast %shift_left3A_113 : vector<16xi32> to vector<16xf32>
          %and3A_114 = arith.andi %get3A_111, %broadcast_in_dim3A_30 : vector<16xi32>
          %bitcast3A_115 = vector.bitcast %and3A_114 : vector<16xi32> to vector<16xf32>
          %select_n3A_116 = arith.select %eq3A_105, %bitcast3A, %bitcast3A_115 : vector<16xi1>, vector<16xf32>
          %swap3A = arith.index_cast %add3A_97 : i32 to index
          %swap3A_117 = arith.constant 0 : index
          %swap3A_118 = tpu.vector_load %arg8[%swap3A, %swap3A_117] {strides = array<i32>} : memref<128x64xf32, #tpu.memory_space<vmem>>, vector<16xf32>,
          tpu.vector_store %arg8[%swap3A, %swap3A_117], %select_n3A_116 {add = true, strides = array<i32>} : memref<128x64xf32, #tpu.memory_space<vmem>>, vector<16xf32>,
          %mul3A_119 = arith.mulf %select_n3A_116, %select_n3A_116 : vector<16xf32>
          %swap3A_120 = arith.index_cast %add3A_97 : i32 to index
          %swap3A_121 = arith.constant 0 : index
          %swap3A_122 = tpu.vector_load %arg9[%swap3A_120, %swap3A_121] {strides = array<i32>} : memref<128x64xf32, #tpu.memory_space<vmem>>, vector<16xf32>,
          tpu.vector_store %arg9[%swap3A_120, %swap3A_121], %mul3A_119 {add = true, strides = array<i32>} : memref<128x64xf32, #tpu.memory_space<vmem>>, vector<16xf32>,
          %get3A_123 = arith.constant 0 : i32
          %get3A_124 = arith.constant 0 : i32
          %get3A_125 = tpu.memref_slice %arg7[%scan3A_87, %get3A_123, %get3A_124] : memref<2x128x128xi32, #tpu.memory_space<vmem>> -> memref<1x128x128xi32, #tpu.memory_space<vmem>>
          %get3A_126 = tpu.memref_squeeze %get3A_125 : memref<1x128x128xi32, #tpu.memory_space<vmem>> -> memref<128x128xi32, #tpu.memory_space<vmem>>
          %get3A_127 = arith.index_cast %add3A_97 : i32 to index
          %get3A_128 = arith.constant 80 : index
          %get3A_129 = tpu.vector_load %get3A_126[%get3A_127, %get3A_128] {strides = array<i32>} : memref<128x128xi32, #tpu.memory_space<vmem>>, vector<16xi32>,
          %shift_left3A_130 = arith.constant 16 : i32
          %shift_left3A_131 = vector.broadcast %shift_left3A_130 : i32 to vector<16xi32>
          %shift_left3A_132 = arith.shli %get3A_129, %shift_left3A_131 : vector<16xi32>
          %bitcast3A_133 = vector.bitcast %shift_left3A_132 : vector<16xi32> to vector<16xf32>
          %and3A_134 = arith.andi %get3A_129, %broadcast_in_dim3A_30 : vector<16xi32>
          %bitcast3A_135 = vector.bitcast %and3A_134 : vector<16xi32> to vector<16xf32>
          %select_n3A_136 = arith.select %eq3A_105, %bitcast3A_133, %bitcast3A_135 : vector<16xi1>, vector<16xf32>
          %swap3A_137 = arith.index_cast %add3A_97 : i32 to index
          %swap3A_138 = arith.constant 16 : index
          %swap3A_139 = tpu.vector_load %arg8[%swap3A_137, %swap3A_138] {strides = array<i32>} : memref<128x64xf32, #tpu.memory_space<vmem>>, vector<16xf32>,
          tpu.vector_store %arg8[%swap3A_137, %swap3A_138], %select_n3A_136 {add = true, strides = array<i32>} : memref<128x64xf32, #tpu.memory_space<vmem>>, vector<16xf32>,
          %mul3A_140 = arith.mulf %select_n3A_136, %select_n3A_136 : vector<16xf32>
          %swap3A_141 = arith.index_cast %add3A_97 : i32 to index
          %swap3A_142 = arith.constant 16 : index
          %swap3A_143 = tpu.vector_load %arg9[%swap3A_141, %swap3A_142] {strides = array<i32>} : memref<128x64xf32, #tpu.memory_space<vmem>>, vector<16xf32>,
          tpu.vector_store %arg9[%swap3A_141, %swap3A_142], %mul3A_140 {add = true, strides = array<i32>} : memref<128x64xf32, #tpu.memory_space<vmem>>, vector<16xf32>,
          %get3A_144 = arith.constant 0 : i32
          %get3A_145 = arith.constant 0 : i32
          %get3A_146 = tpu.memref_slice %arg7[%scan3A_87, %get3A_144, %get3A_145] : memref<2x128x128xi32, #tpu.memory_space<vmem>> -> memref<1x128x128xi32, #tpu.memory_space<vmem>>
          %get3A_147 = tpu.memref_squeeze %get3A_146 : memref<1x128x128xi32, #tpu.memory_space<vmem>> -> memref<128x128xi32, #tpu.memory_space<vmem>>
          %get3A_148 = arith.index_cast %add3A_97 : i32 to index
          %get3A_149 = arith.constant 96 : index
          %get3A_150 = tpu.vector_load %get3A_147[%get3A_148, %get3A_149] {strides = array<i32>} : memref<128x128xi32, #tpu.memory_space<vmem>>, vector<16xi32>,
          %shift_left3A_151 = arith.constant 16 : i32
          %shift_left3A_152 = vector.broadcast %shift_left3A_151 : i32 to vector<16xi32>
          %shift_left3A_153 = arith.shli %get3A_150, %shift_left3A_152 : vector<16xi32>
          %bitcast3A_154 = vector.bitcast %shift_left3A_153 : vector<16xi32> to vector<16xf32>
          %and3A_155 = arith.andi %get3A_150, %broadcast_in_dim3A_30 : vector<16xi32>
          %bitcast3A_156 = vector.bitcast %and3A_155 : vector<16xi32> to vector<16xf32>
          %select_n3A_157 = arith.select %eq3A_105, %bitcast3A_154, %bitcast3A_156 : vector<16xi1>, vector<16xf32>
          %swap3A_158 = arith.index_cast %add3A_97 : i32 to index
          %swap3A_159 = arith.constant 32 : index
          %swap3A_160 = tpu.vector_load %arg8[%swap3A_158, %swap3A_159] {strides = array<i32>} : memref<128x64xf32, #tpu.memory_space<vmem>>, vector<16xf32>,
          tpu.vector_store %arg8[%swap3A_158, %swap3A_159], %select_n3A_157 {add = true, strides = array<i32>} : memref<128x64xf32, #tpu.memory_space<vmem>>, vector<16xf32>,
          %mul3A_161 = arith.mulf %select_n3A_157, %select_n3A_157 : vector<16xf32>
          %swap3A_162 = arith.index_cast %add3A_97 : i32 to index
          %swap3A_163 = arith.constant 32 : index
          %swap3A_164 = tpu.vector_load %arg9[%swap3A_162, %swap3A_163] {strides = array<i32>} : memref<128x64xf32, #tpu.memory_space<vmem>>, vector<16xf32>,
          tpu.vector_store %arg9[%swap3A_162, %swap3A_163], %mul3A_161 {add = true, strides = array<i32>} : memref<128x64xf32, #tpu.memory_space<vmem>>, vector<16xf32>,
          %get3A_165 = arith.constant 0 : i32
          %get3A_166 = arith.constant 0 : i32
          %get3A_167 = tpu.memref_slice %arg7[%scan3A_87, %get3A_165, %get3A_166] : memref<2x128x128xi32, #tpu.memory_space<vmem>> -> memref<1x128x128xi32, #tpu.memory_space<vmem>>
          %get3A_168 = tpu.memref_squeeze %get3A_167 : memref<1x128x128xi32, #tpu.memory_space<vmem>> -> memref<128x128xi32, #tpu.memory_space<vmem>>
          %get3A_169 = arith.index_cast %add3A_97 : i32 to index
          %get3A_170 = arith.constant 112 : index
          %get3A_171 = tpu.vector_load %get3A_168[%get3A_169, %get3A_170] {strides = array<i32>} : memref<128x128xi32, #tpu.memory_space<vmem>>, vector<16xi32>,
          %shift_left3A_172 = arith.constant 16 : i32
          %shift_left3A_173 = vector.broadcast %shift_left3A_172 : i32 to vector<16xi32>
          %shift_left3A_174 = arith.shli %get3A_171, %shift_left3A_173 : vector<16xi32>
          %bitcast3A_175 = vector.bitcast %shift_left3A_174 : vector<16xi32> to vector<16xf32>
          %and3A_176 = arith.andi %get3A_171, %broadcast_in_dim3A_30 : vector<16xi32>
          %bitcast3A_177 = vector.bitcast %and3A_176 : vector<16xi32> to vector<16xf32>
          %select_n3A_178 = arith.select %eq3A_105, %bitcast3A_175, %bitcast3A_177 : vector<16xi1>, vector<16xf32>
          %swap3A_179 = arith.index_cast %add3A_97 : i32 to index
          %swap3A_180 = arith.constant 48 : index
          %swap3A_181 = tpu.vector_load %arg8[%swap3A_179, %swap3A_180] {strides = array<i32>} : memref<128x64xf32, #tpu.memory_space<vmem>>, vector<16xf32>,
          tpu.vector_store %arg8[%swap3A_179, %swap3A_180], %select_n3A_178 {add = true, strides = array<i32>} : memref<128x64xf32, #tpu.memory_space<vmem>>, vector<16xf32>,
          %mul3A_182 = arith.mulf %select_n3A_178, %select_n3A_178 : vector<16xf32>
          %swap3A_183 = arith.index_cast %add3A_97 : i32 to index
          %swap3A_184 = arith.constant 48 : index
          %swap3A_185 = tpu.vector_load %arg9[%swap3A_183, %swap3A_184] {strides = array<i32>} : memref<128x64xf32, #tpu.memory_space<vmem>>, vector<16xf32>,
          tpu.vector_store %arg9[%swap3A_183, %swap3A_184], %mul3A_182 {add = true, strides = array<i32>} : memref<128x64xf32, #tpu.memory_space<vmem>>, vector<16xf32>,
        }
        %scan3A_92 = arith.constant 128 : i32
      } else {
      }
    }
    %scan3A_35 = arith.constant 26 : i32
    %run_scoped3A = arith.constant 0 : i32
    "tpu.region"() ({
      %run_scoped3A_37 = tpu.sem_alloc : memref<!tpu.dma_semaphore, #tpu.memory_space<semaphore_mem>>
      %dma_start3A_38 = arith.constant 0 : i32
      %dma_start3A_39 = tpu.memref_slice %arg4[%run_scoped3A, %mul3A_2, %dma_start3A_38] : memref<2x4096x64xf32, #tpu.memory_space<hbm>> -> memref<1x128x64xf32, #tpu.memory_space<hbm>>
      %dma_start3A_40 = tpu.memref_squeeze %dma_start3A_39 : memref<1x128x64xf32, #tpu.memory_space<hbm>> -> memref<128x64xf32, #tpu.memory_space<hbm>>
      %dma_start3A_41 = arith.constant 0 : i32
      %dma_start3A_42 = tpu.memref_slice %arg4[%run_scoped3A, %mul3A_2, %dma_start3A_41] : memref<2x4096x64xf32, #tpu.memory_space<hbm>> -> memref<1x128x64xf32, #tpu.memory_space<hbm>>
      %dma_start3A_43 = tpu.memref_squeeze %dma_start3A_42 : memref<1x128x64xf32, #tpu.memory_space<hbm>> -> memref<128x64xf32, #tpu.memory_space<hbm>>
      tpu.enqueue_dma source(%arg8 : memref<128x64xf32, #tpu.memory_space<vmem>>) target(%dma_start3A_43 : memref<128x64xf32, #tpu.memory_space<hbm>>) target_semaphore(%run_scoped3A_37 : memref<!tpu.dma_semaphore, #tpu.memory_space<semaphore_mem>>)
      %dma_wait3A = arith.constant 0 : i32
      %dma_wait3A_44 = tpu.memref_slice %arg4[%run_scoped3A, %mul3A_2, %dma_wait3A] : memref<2x4096x64xf32, #tpu.memory_space<hbm>> -> memref<1x128x64xf32, #tpu.memory_space<hbm>>
      %dma_wait3A_45 = tpu.memref_squeeze %dma_wait3A_44 : memref<1x128x64xf32, #tpu.memory_space<hbm>> -> memref<128x64xf32, #tpu.memory_space<hbm>>
      %dma_wait3A_46 = arith.constant 0 : i32
      %dma_wait3A_47 = tpu.memref_slice %arg4[%run_scoped3A, %mul3A_2, %dma_wait3A_46] : memref<2x4096x64xf32, #tpu.memory_space<hbm>> -> memref<1x128x64xf32, #tpu.memory_space<hbm>>
      %dma_wait3A_48 = tpu.memref_squeeze %dma_wait3A_47 : memref<1x128x64xf32, #tpu.memory_space<hbm>> -> memref<128x64xf32, #tpu.memory_space<hbm>>
      tpu.wait_dma2 semaphore(%run_scoped3A_37 : memref<!tpu.dma_semaphore, #tpu.memory_space<semaphore_mem>>) src(%arg8 : memref<128x64xf32, #tpu.memory_space<vmem>>) dst(%dma_wait3A_48 : memref<128x64xf32, #tpu.memory_space<hbm>>)
      tpu.yield
    }) : () -> ()
    %run_scoped3A_36 = arith.constant 1 : i32
    "tpu.region"() ({
      %run_scoped3A_37 = tpu.sem_alloc : memref<!tpu.dma_semaphore, #tpu.memory_space<semaphore_mem>>
      %dma_start3A_38 = arith.constant 0 : i32
      %dma_start3A_39 = tpu.memref_slice %arg4[%run_scoped3A_36, %mul3A_2, %dma_start3A_38] : memref<2x4096x64xf32, #tpu.memory_space<hbm>> -> memref<1x128x64xf32, #tpu.memory_space<hbm>>
      %dma_start3A_40 = tpu.memref_squeeze %dma_start3A_39 : memref<1x128x64xf32, #tpu.memory_space<hbm>> -> memref<128x64xf32, #tpu.memory_space<hbm>>
      %dma_start3A_41 = arith.constant 0 : i32
      %dma_start3A_42 = tpu.memref_slice %arg4[%run_scoped3A_36, %mul3A_2, %dma_start3A_41] : memref<2x4096x64xf32, #tpu.memory_space<hbm>> -> memref<1x128x64xf32, #tpu.memory_space<hbm>>
      %dma_start3A_43 = tpu.memref_squeeze %dma_start3A_42 : memref<1x128x64xf32, #tpu.memory_space<hbm>> -> memref<128x64xf32, #tpu.memory_space<hbm>>
      tpu.enqueue_dma source(%arg9 : memref<128x64xf32, #tpu.memory_space<vmem>>) target(%dma_start3A_43 : memref<128x64xf32, #tpu.memory_space<hbm>>) target_semaphore(%run_scoped3A_37 : memref<!tpu.dma_semaphore, #tpu.memory_space<semaphore_mem>>)
      %dma_wait3A = arith.constant 0 : i32
      %dma_wait3A_44 = tpu.memref_slice %arg4[%run_scoped3A_36, %mul3A_2, %dma_wait3A] : memref<2x4096x64xf32, #tpu.memory_space<hbm>> -> memref<1x128x64xf32, #tpu.memory_space<hbm>>
      %dma_wait3A_45 = tpu.memref_squeeze %dma_wait3A_44 : memref<1x128x64xf32, #tpu.memory_space<hbm>> -> memref<128x64xf32, #tpu.memory_space<hbm>>
      %dma_wait3A_46 = arith.constant 0 : i32
      %dma_wait3A_47 = tpu.memref_slice %arg4[%run_scoped3A_36, %mul3A_2, %dma_wait3A_46] : memref<2x4096x64xf32, #tpu.memory_space<hbm>> -> memref<1x128x64xf32, #tpu.memory_space<hbm>>
      %dma_wait3A_48 = tpu.memref_squeeze %dma_wait3A_47 : memref<1x128x64xf32, #tpu.memory_space<hbm>> -> memref<128x64xf32, #tpu.memory_space<hbm>>
      tpu.wait_dma2 semaphore(%run_scoped3A_37 : memref<!tpu.dma_semaphore, #tpu.memory_space<semaphore_mem>>) src(%arg9 : memref<128x64xf32, #tpu.memory_space<vmem>>) dst(%dma_wait3A_48 : memref<128x64xf32, #tpu.memory_space<hbm>>)
      tpu.yield
    }) : () -> ()
    return
  }
}

module attributes {stable_mosaic.version = 14 : i64} {
  func.func @body(%arg0: i32, %arg1: i32, %arg2: memref<2x64x5120xf32, #tpu.memory_space<vmem>>, %arg3: memref<64x128xbf16, #tpu.memory_space<vmem>>, %arg4: memref<64x128xbf16, #tpu.memory_space<vmem>>, %arg5: memref<1x2560x128xi32, #tpu.memory_space<vmem>>) attributes {dimension_semantics = [#tpu.dimension_semantics<arbitrary>, #tpu.dimension_semantics<arbitrary>], iteration_bounds = array<i64: 13, 20>, scalar_prefetch = 0 : i64, scratch_operands = 0 : i64, tpu.core_type = #tpu.core_type<tc>, window_params = [{transform_indices = @transform_0, window_bounds = array<i64: 2, 64, 5120>}, {pipeline_mode = #tpu.pipeline_mode<synchronous>, transform_indices = @transform_1, window_bounds = array<i64: 64, 128>}, {pipeline_mode = #tpu.pipeline_mode<synchronous>, transform_indices = @transform_2, window_bounds = array<i64: 64, 128>}, {transform_indices = @transform_3, window_bounds = array<i64: 1, 2560, 128>}]} {
    %get3A = arith.constant 0 : index
    %get3A_0 = arith.constant 0 : index
    %get3A_1 = arith.constant 0 : index
    %get3A_2 = vector.load %arg2[%get3A, %get3A_0, %get3A_1] : memref<2x64x5120xf32, #tpu.memory_space<vmem>>, vector<1x64x5120xf32>
    %get3A_3 = vector.shape_cast %get3A_2 : vector<1x64x5120xf32> to vector<64x5120xf32>
    %convert_element_type3A = arith.truncf %get3A_3 : vector<64x5120xf32> to vector<64x5120xbf16>
    %get3A_4 = arith.constant 1 : index
    %get3A_5 = arith.constant 0 : index
    %get3A_6 = arith.constant 0 : index
    %get3A_7 = vector.load %arg2[%get3A_4, %get3A_5, %get3A_6] : memref<2x64x5120xf32, #tpu.memory_space<vmem>>, vector<1x64x5120xf32>
    %get3A_8 = vector.shape_cast %get3A_7 : vector<1x64x5120xf32> to vector<64x5120xf32>
    %convert_element_type3A_9 = arith.truncf %get3A_8 : vector<64x5120xf32> to vector<64x5120xbf16>
    %get3A_10 = arith.constant 0 : index
    %get3A_11 = arith.constant 0 : index
    %get3A_12 = vector.load %arg3[%get3A_10, %get3A_11] : memref<64x128xbf16, #tpu.memory_space<vmem>>, vector<64x128xbf16>
    %dot_general3A = arith.constant dense<0.000000e+00> : vector<5120x128xf32>
    %dot_general3A_13 = tpu.matmul %convert_element_type3A, %get3A_12, %dot_general3A {dimension_numbers = #tpu.dot_dimension_numbers<[0], [0], [1], [1], [0, 1, 1, 1], [], []>, transpose_lhs_hint = false} : vector<64x5120xbf16>, vector<64x128xbf16>, vector<5120x128xf32> -> vector<5120x128xf32>
    %get3A_14 = arith.constant 0 : index
    %get3A_15 = arith.constant 0 : index
    %get3A_16 = vector.load %arg4[%get3A_14, %get3A_15] : memref<64x128xbf16, #tpu.memory_space<vmem>>, vector<64x128xbf16>
    %dot_general3A_17 = arith.constant dense<0.000000e+00> : vector<5120x128xf32>
    %dot_general3A_18 = tpu.matmul %convert_element_type3A_9, %get3A_16, %dot_general3A_17 {dimension_numbers = #tpu.dot_dimension_numbers<[0], [0], [1], [1], [0, 1, 1, 1], [], []>, transpose_lhs_hint = false} : vector<64x5120xbf16>, vector<64x128xbf16>, vector<5120x128xf32> -> vector<5120x128xf32>
    %add3A = arith.addf %dot_general3A_13, %dot_general3A_18 : vector<5120x128xf32>
    %convert_element_type3A_19 = arith.truncf %add3A : vector<5120x128xf32> to vector<5120x128xbf16>
    %bitcast3A = tpu.bitcast %convert_element_type3A_19 : vector<5120x128xbf16> -> vector<2560x128xi32>
    %swap3A = arith.constant 0 : index
    %swap3A_20 = arith.constant 0 : index
    %swap3A_21 = arith.constant 0 : index
    %swap3A_22 = vector.load %arg5[%swap3A, %swap3A_20, %swap3A_21] : memref<1x2560x128xi32, #tpu.memory_space<vmem>>, vector<1x2560x128xi32>
    %swap3A_23 = vector.shape_cast %swap3A_22 : vector<1x2560x128xi32> to vector<2560x128xi32>
    %swap3A_24 = vector.shape_cast %bitcast3A : vector<2560x128xi32> to vector<1x2560x128xi32>
    tpu.vector_store %arg5[%swap3A, %swap3A_20, %swap3A_21], %swap3A_24 {strides = array<i32>} : memref<1x2560x128xi32, #tpu.memory_space<vmem>>, vector<1x2560x128xi32>,
    return
  }
  func.func @transform_0(%arg0: i32, %arg1: i32) -> (i32, i32, i32) {
    %c0_i32 = arith.constant 0 : i32
    %c0_i32_0 = arith.constant 0 : i32
    return %arg0, %c0_i32, %arg1 : i32, i32, i32
  }
  func.func @transform_1(%arg0: i32, %arg1: i32) -> (i32, i32) {
    %c0_i32 = arith.constant 0 : i32
    %c0_i32_0 = arith.constant 0 : i32
    %c0_i32_1 = arith.constant 0 : i32
    return %c0_i32, %c0_i32_0 : i32, i32
  }
  func.func @transform_2(%arg0: i32, %arg1: i32) -> (i32, i32) {
    %c0_i32 = arith.constant 0 : i32
    %c0_i32_0 = arith.constant 0 : i32
    %c0_i32_1 = arith.constant 0 : i32
    return %c0_i32, %c0_i32_0 : i32, i32
  }
  func.func @transform_3(%arg0: i32, %arg1: i32) -> (i32, i32, i32) {
    %c0_i32 = arith.constant 0 : i32
    %c0_i32_0 = arith.constant 0 : i32
    return %arg0, %arg1, %c0_i32 : i32, i32, i32
  }
}

module attributes {stable_mosaic.version = 14 : i64} {
  func.func @body(%arg0: i32, %arg1: memref<2x512x64xf32, #tpu.memory_space<vmem>>, %arg2: memref<13x512xf32, #tpu.memory_space<vmem>>, %arg3: memref<26x512xi32, #tpu.memory_space<vmem>>, %arg4: memref<13x1xf32, #tpu.memory_space<vmem>>, %arg5: memref<26x1xf32, #tpu.memory_space<vmem>>, %arg6: memref<1x1xf32, #tpu.memory_space<vmem>>, %arg7: memref<1x1x512xf32, #tpu.memory_space<vmem>>) attributes {dimension_semantics = [#tpu.dimension_semantics<arbitrary>], iteration_bounds = array<i64: 8>, scalar_prefetch = 0 : i64, scratch_operands = 0 : i64, tpu.core_type = #tpu.core_type<tc>, window_params = [{transform_indices = @transform_0, window_bounds = array<i64: 2, 512, 64>}, {transform_indices = @transform_1, window_bounds = array<i64: 13, 512>}, {transform_indices = @transform_2, window_bounds = array<i64: 26, 512>}, {pipeline_mode = #tpu.pipeline_mode<synchronous>, transform_indices = @transform_3, window_bounds = array<i64: 13, 1>}, {pipeline_mode = #tpu.pipeline_mode<synchronous>, transform_indices = @transform_4, window_bounds = array<i64: 26, 1>}, {pipeline_mode = #tpu.pipeline_mode<synchronous>, transform_indices = @transform_5, window_bounds = array<i64: 1, 1>}, {transform_indices = @transform_6, window_bounds = array<i64: 1, 1, 512>}]} {
    %get3A = arith.constant 0 : index
    %get3A_0 = arith.constant 0 : index
    %get3A_1 = arith.constant 0 : index
    %get3A_2 = vector.load %arg1[%get3A, %get3A_0, %get3A_1] : memref<2x512x64xf32, #tpu.memory_space<vmem>>, vector<2x512x64xf32>
    %slice3A = vector.extract_strided_slice %get3A_2 {offsets = [0, 0, 0], sizes = [1, 512, 64], strides = [1, 1, 1]} : vector<2x512x64xf32> to vector<1x512x64xf32>
    %squeeze3A = vector.shape_cast %slice3A : vector<1x512x64xf32> to vector<512x64xf32>
    %slice3A_3 = vector.extract_strided_slice %get3A_2 {offsets = [1, 0, 0], sizes = [1, 512, 64], strides = [1, 1, 1]} : vector<2x512x64xf32> to vector<1x512x64xf32>
    %squeeze3A_4 = vector.shape_cast %slice3A_3 : vector<1x512x64xf32> to vector<512x64xf32>
    %mul3A = arith.mulf %squeeze3A, %squeeze3A : vector<512x64xf32>
    %sub3A = arith.subf %mul3A, %squeeze3A_4 : vector<512x64xf32>
    %reduce_sum3A = arith.constant dense<0.000000e+00> : vector<512xf32>
    %reduce_sum3A_5 = vector.multi_reduction <add>, %sub3A, %reduce_sum3A [1] : vector<512x64xf32> to vector<512xf32>
    %mul3A_6 = arith.constant 5.000000e-01 : f32
    %mul3A_7 = vector.broadcast %mul3A_6 : f32 to vector<512xf32>
    %mul3A_8 = arith.mulf %mul3A_7, %reduce_sum3A_5 : vector<512xf32>
    %get3A_9 = arith.constant 0 : index
    %get3A_10 = arith.constant 0 : index
    %get3A_11 = vector.load %arg3[%get3A_9, %get3A_10] : memref<26x512xi32, #tpu.memory_space<vmem>>, vector<26x512xi32>
    %convert_element_type3A = arith.sitofp %get3A_11 : vector<26x512xi32> to vector<26x512xf32>
    %get3A_12 = arith.constant 0 : index
    %get3A_13 = arith.constant 0 : index
    %get3A_14 = vector.load %arg2[%get3A_12, %get3A_13] : memref<13x512xf32, #tpu.memory_space<vmem>>, vector<13x512xf32>
    %get3A_15 = arith.constant 0 : index
    %get3A_16 = arith.constant 0 : index
    %get3A_17 = vector.load %arg4[%get3A_15, %get3A_16] : memref<13x1xf32, #tpu.memory_space<vmem>>, vector<13x1xf32>
    %mul3A_18 = vector.broadcast %get3A_17 : vector<13x1xf32> to vector<13x512xf32>
    %mul3A_19 = arith.mulf %get3A_14, %mul3A_18 : vector<13x512xf32>
    %reduce_sum3A_20 = arith.constant dense<0.000000e+00> : vector<512xf32>
    %reduce_sum3A_21 = vector.multi_reduction <add>, %mul3A_19, %reduce_sum3A_20 [0] : vector<13x512xf32> to vector<512xf32>
    %get3A_22 = arith.constant 0 : index
    %get3A_23 = arith.constant 0 : index
    %get3A_24 = vector.load %arg5[%get3A_22, %get3A_23] : memref<26x1xf32, #tpu.memory_space<vmem>>, vector<26x1xf32>
    %mul3A_25 = vector.broadcast %get3A_24 : vector<26x1xf32> to vector<26x512xf32>
    %mul3A_26 = arith.mulf %convert_element_type3A, %mul3A_25 : vector<26x512xf32>
    %reduce_sum3A_27 = arith.constant dense<0.000000e+00> : vector<512xf32>
    %reduce_sum3A_28 = vector.multi_reduction <add>, %mul3A_26, %reduce_sum3A_27 [0] : vector<26x512xf32> to vector<512xf32>
    %add3A = arith.addf %reduce_sum3A_21, %reduce_sum3A_28 : vector<512xf32>
    %get3A_29 = arith.constant 0 : index
    %get3A_30 = arith.constant 0 : index
    %get3A_31 = vector.load %arg6[%get3A_29, %get3A_30] : memref<1x1xf32, #tpu.memory_space<vmem>>, vector<1x1xf32>
    %get3A_32 = vector.extract %get3A_31[0, 0] : f32 from vector<1x1xf32>
    %add3A_33 = vector.broadcast %get3A_32 : f32 to vector<512xf32>
    %add3A_34 = arith.addf %add3A, %add3A_33 : vector<512xf32>
    %add3A_35 = arith.addf %add3A_34, %mul3A_8 : vector<512xf32>
    %logistic3A = arith.negf %add3A_35 : vector<512xf32>
    %logistic3A_36 = math.exp %logistic3A : vector<512xf32>
    %logistic3A_37 = arith.constant 1.000000e+00 : f32
    %logistic3A_38 = vector.broadcast %logistic3A_37 : f32 to vector<512xf32>
    %logistic3A_39 = arith.addf %logistic3A_38, %logistic3A_36 : vector<512xf32>
    %logistic3A_40 = arith.divf %logistic3A_38, %logistic3A_39 : vector<512xf32>
    %reshape3A = vector.shape_cast %logistic3A_40 : vector<512xf32> to vector<1x1x512xf32>
    %swap3A = arith.constant 0 : index
    %swap3A_41 = arith.constant 0 : index
    %swap3A_42 = arith.constant 0 : index
    %swap3A_43 = vector.load %arg7[%swap3A, %swap3A_41, %swap3A_42] : memref<1x1x512xf32, #tpu.memory_space<vmem>>, vector<1x1x512xf32>
    tpu.vector_store %arg7[%swap3A, %swap3A_41, %swap3A_42], %reshape3A {strides = array<i32>} : memref<1x1x512xf32, #tpu.memory_space<vmem>>, vector<1x1x512xf32>,
    return
  }
  func.func @transform_0(%arg0: i32) -> (i32, i32, i32) {
    %c0_i32 = arith.constant 0 : i32
    %c0_i32_0 = arith.constant 0 : i32
    %c0_i32_1 = arith.constant 0 : i32
    return %c0_i32, %arg0, %c0_i32_0 : i32, i32, i32
  }
  func.func @transform_1(%arg0: i32) -> (i32, i32) {
    %c0_i32 = arith.constant 0 : i32
    %c0_i32_0 = arith.constant 0 : i32
    return %c0_i32, %arg0 : i32, i32
  }
  func.func @transform_2(%arg0: i32) -> (i32, i32) {
    %c0_i32 = arith.constant 0 : i32
    %c0_i32_0 = arith.constant 0 : i32
    return %c0_i32, %arg0 : i32, i32
  }
  func.func @transform_3(%arg0: i32) -> (i32, i32) {
    %c0_i32 = arith.constant 0 : i32
    %c0_i32_0 = arith.constant 0 : i32
    %c0_i32_1 = arith.constant 0 : i32
    return %c0_i32, %c0_i32_0 : i32, i32
  }
  func.func @transform_4(%arg0: i32) -> (i32, i32) {
    %c0_i32 = arith.constant 0 : i32
    %c0_i32_0 = arith.constant 0 : i32
    %c0_i32_1 = arith.constant 0 : i32
    return %c0_i32, %c0_i32_0 : i32, i32
  }
  func.func @transform_5(%arg0: i32) -> (i32, i32) {
    %c0_i32 = arith.constant 0 : i32
    %c0_i32_0 = arith.constant 0 : i32
    %c0_i32_1 = arith.constant 0 : i32
    return %c0_i32, %c0_i32_0 : i32, i32
  }
  func.func @transform_6(%arg0: i32) -> (i32, i32, i32) {
    %c0_i32 = arith.constant 0 : i32
    %c0_i32_0 = arith.constant 0 : i32
    %c0_i32_1 = arith.constant 0 : i32
    return %arg0, %c0_i32, %c0_i32_0 : i32, i32, i32
  }
}

</mosaic_0001>

<sc_bundles>
// kernel: kernel.5.cloned.1.call-start
scs
__scs_entry_jumppad:
0x0: {  	(pc) =	sbr.rel $0x88, $3  }
0x1: {  	(tag) =	ssettag $0x0;
	lr =	simm.s32 $0x1  }
0x2: {  	[smem:$0x3F9C] =	sst lr;
	_ =	strace $0xD0000000  }
0x3: {  	_ = 	snop  }
0x4: {  	_ = 	snop  }
0x5: {  	_ = 	snop  }
0x6: {  	_ = 	snop  }
0x7: {  	_ = 	snop  }
__scs_overlays_trampoline_lowered:
0x8: {  	[smem:$0x3FAB] =	sst s0  }
0x9: {  	[smem:$0x3FAC] =	sst s1  }
0xa: {  	[smem:$0x3FAD] =	sst s2  }
0xb: {  	[smem:$0x3FAE] =	sst s3  }
0xc: {  	[smem:$0x3FAF] =	sst s4  }
0xd: {  	[smem:$0x3FB0] =	sst s5  }
0xe: {  	[smem:$0x3FB1] =	sst s6  }
0xf: {  	[smem:$0x3FB2] =	sst s7  }
0x10: {  	[smem:$0x3FB3] =	sst s8  }
0x11: {  	[smem:$0x3FB4] =	sst s9;
	s0 =	simm.s32 @!p0 $0x0  }
0x12: {  	s1 =	sld [smem:$0x3F9A];
	s0 =	simm.s32 @p0 $0x1  }
0x13: {  	[smem:$0x3FB5] =	sst s0;
	s0 =	simm.s32 @!p1 $0x0  }
0x14: {  	s2 =	sld [smem:$0x3F99];
	s0 =	simm.s32 @p1 $0x1  }
0x15: {  	[smem:$0x3FB6] =	sst s0;
	s0 =	simm.s32 @!p2 $0x0  }
0x16: {  	s3 =	sld [smem:$0x3FDB];
	s0 =	simm.s32 @p2 $0x1  }
0x17: {  	s4 =	simm.s32 $0x1BF5;
	[smem:$0x3FB8] =	sst s0  }
0x18: {  	s0 =	sld [smem:$0x3F9B];
	_ =	swait.ge [sflag:s4], $0x0  }
0x19: {  	s7 =	sld [smem:$0x3F9C]  }
0x1a: {  	s8 =	sadd.s32 $0xFFFFE003, lr  }
0x1b: {  	s9 =	sadd.s32 $0xFFFFFEF7, lr;
	s5 =	simm.s32 $0xFFFFFFFF;
	p2 =	slt.u32 s8, $0xFFFFF086  }
0x1c: {  	p1 =	slt.u32 s9, $0xF7A;
	s5 =	simm.s32 @!p2 $0x0  }
0x1d: {  	s5 =	simm.s32 @p1 $0x1;
	p0 =	seq.s32 s7, s2  }
0x1e: {  	s7 =	smul.u32 @!p0 $0xF7A, s2;
	p2 =	seq.s32 @!p0 s5, $0x0  }
0x1f: {  	s9 =	smul.u32 $0xF7A, s1;
	s8 =	simm.s32 @!p0 $0x1BF5;
	p2 =	por !p2, p0  }
0x20: {  	[sflag:s8] =	ssyncset.s32 @!p0 $0xFFFFF086;
	s6 =	sadd.s32 @!p0 s3, s7;
	s7 =	simm.s32 @!p0 $0x108  }
0x21: {  	s3 =	sadd.s32 s3, s9;
	s6 =	sadd.s32 @!p0 $0x88, s6;
	s7 =	simm.s32 @p2 $0x1082  }
0x22: {  	[simem:s7], [sflag:s8] =	dma.local @!p0 [hbm:s6], $0xF7A  }
0x23: {  	s9 =	sor.u32 $0xD0000000, s2;
	s6 =	simm.s32 $0x108;
	_ =	swait.ge @!p0 [sflag:s8], $0x0  }
0x24: {  	s3 =	sadd.s32 $0x88, s3;
	s6 =	simm.s32 @!p1 $0x1082;
	[sflag:s4] =	ssyncset.s32 $0xFFFFF086  }
0x25: {  	[simem:s6], [sflag:s4] =	dma.local [hbm:s3], $0xF7A  }
0x26: {  	[smem:$0x3F9C] =	sst s1;
	(tag) =	ssettag s2;
	_ =	strace s9  }
0x27: {  	s1 =	sld [smem:$0x3FAC]  }
0x28: {  	s2 =	sld [smem:$0x3FAD]  }
0x29: {  	s4 =	sld [smem:$0x3FAF]  }
0x2a: {  	p0 =	seq.s32 s5, $0x0;
	s5 =	sld [smem:$0x3FB0]  }
0x2b: {  	s6 =	sld [smem:$0x3FB1]  }
0x2c: {  	s7 =	sld [smem:$0x3FB2]  }
0x2d: {  	s3 =	simm.s32 $0x108;
	s8 =	sld [smem:$0x3FB3]  }
0x2e: {  	s3 =	simm.s32 @!p0 $0x1082;
	s9 =	sld [smem:$0x3FB4]  }
0x2f: {  	lr =	sadd.s32 s0, s3;
	s0 =	sld [smem:$0x3FAB]  }
0x30: {  	s3 =	sld [smem:$0x3FAE]  }
0x31: {  	[smem:$0x3FB7] =	sst s10  }
0x32: {  	s10 =	sld [smem:$0x3FB5];
	_ =	sdelay $0x3  }
0x33: {  	p0 =	seq.s32 s10, $0x1;
	s10 =	sld [smem:$0x3FB7];
	_ =	sdelay $0x3  }
0x34: {  	[smem:$0x3FB7] =	sst s10  }
0x35: {  	s10 =	sld [smem:$0x3FB6];
	_ =	sdelay $0x3  }
0x36: {  	p1 =	seq.s32 s10, $0x1;
	s10 =	sld [smem:$0x3FB7];
	_ =	sdelay $0x3  }
0x37: {  	[smem:$0x3FB7] =	sst s10  }
0x38: {  	s10 =	sld [smem:$0x3FB8]  }
0x39: {  	_ = 	snop;
	(pc) =	sbr.ind lr, $3  }
0x3a: {  	_ = 	snop  }
0x3b: {  	_ = 	snop  }
0x3c: {  	p2 =	seq.s32 s10, $0x1;
	s10 =	sld [smem:$0x3FB7]  }
0x3d: {  	_ =	shalt  }
0x3e: {  	_ =	shalt  }
0x3f: {  	_ =	shalt  }
0x40: {  	_ =	shalt  }
0x41: {  	_ =	shalt  }
0x42: {  	_ =	shalt  }
0x43: {  	_ =	shalt  }
0x44: {  	_ =	shalt  }
0x45: {  	_ =	shalt  }
0x46: {  	_ =	shalt  }
0x47: {  	_ =	shalt  }
0x48: {  	_ =	shalt  }
0x49: {  	_ =	shalt  }
0x4a: {  	_ =	shalt  }
0x4b: {  	_ =	shalt  }
0x4c: {  	_ =	shalt  }
0x4d: {  	_ =	shalt  }
0x4e: {  	_ =	shalt  }
0x4f: {  	_ =	shalt  }
0x50: {  	_ =	shalt  }
0x51: {  	_ =	shalt  }
0x52: {  	_ =	shalt  }
0x53: {  	_ =	shalt  }
0x54: {  	_ =	shalt  }
0x55: {  	_ =	shalt  }
0x56: {  	_ =	shalt  }
0x57: {  	_ =	shalt  }
0x58: {  	_ =	shalt  }
0x59: {  	_ =	shalt  }
0x5a: {  	_ =	shalt  }
0x5b: {  	_ =	shalt  }
0x5c: {  	_ =	shalt  }
0x5d: {  	_ =	shalt  }
0x5e: {  	_ =	shalt  }
0x5f: {  	_ =	shalt  }
0x60: {  	_ =	shalt  }
0x61: {  	_ =	shalt  }
0x62: {  	_ =	shalt  }
0x63: {  	_ =	shalt  }
0x64: {  	_ =	shalt  }
0x65: {  	_ =	shalt  }
0x66: {  	_ =	shalt  }
0x67: {  	_ =	shalt  }
0x68: {  	_ =	shalt  }
0x69: {  	_ =	shalt  }
0x6a: {  	_ =	shalt  }
0x6b: {  	_ =	shalt  }
0x6c: {  	_ =	shalt  }
0x6d: {  	_ =	shalt  }
0x6e: {  	_ =	shalt  }
0x6f: {  	_ =	shalt  }
0x70: {  	_ =	shalt  }
0x71: {  	_ =	shalt  }
0x72: {  	_ =	shalt  }
0x73: {  	_ =	shalt  }
0x74: {  	_ =	shalt  }
0x75: {  	_ =	shalt  }
0x76: {  	_ =	shalt  }
0x77: {  	_ =	shalt  }
0x78: {  	_ =	shalt  }
0x79: {  	_ =	shalt  }
0x7a: {  	_ =	shalt  }
0x7b: {  	_ =	shalt  }
0x7c: {  	_ =	shalt  }
0x7d: {  	_ =	shalt  }
0x7e: {  	_ =	shalt  }
0x7f: {  	_ =	shalt  }
0x80: {  	_ =	shalt  }
0x81: {  	_ =	shalt  }
0x82: {  	_ =	shalt  }
0x83: {  	_ =	shalt  }
0x84: {  	_ =	shalt  }
0x85: {  	_ =	shalt  }
0x86: {  	_ =	shalt  }
0x87: {  	_ =	shalt  }
.Lfunc_end0:
.L_simem_size_0:
called_computation_lowered:
.L_overlay_start_0:
0x88: {  	s2 =	sld [smem:$0x3FD9]  }
0x89: {  	s3 =	sld [smem:$0x3FFE];
	_ =	sdelay $0x1  }
0x8a: {  	s1 =	srdreg.scid  }
0x8b: {  	s0 =	sand.u32 $0x1, s1  }
0x8c: {  	s17 =	sshll.u32 s0, $0xA;
	s2 =	sadd.s32 s3, s2  }
0x8d: {  	s2 =	sadd.s32 s2, s17  }
0x8e: {  	[smem:$0x3FC3] =	sst s2  }
0x8f: {  	_ = 	snop  }
0x90: {  	s2 =	sld [smem:$0x3FC8];
	(tm) =	ssettm $0x1  }
0x91: {  	s18 =	sld [smem:$0x3FFB];
	_ =	sdelay $0x3  }
0x92: {  	_ =	strace s18  }
0x93: {  	s3 =	sld [smem:$0x3FFC];
	_ =	sdelay $0x3  }
0x94: {  	_ =	strace s3  }
0x95: {  	s3 =	sld [smem:$0x3FFD];
	_ =	sdelay $0x3  }
0x96: {  	_ =	strace s3  }
0x97: {  	_ =	strace $0x8FFFFFFF  }
0x98: {  	s19 =	sld [smem:$0x3FDB];
	_ =	sdelay $0x1  }
0x99: {  	s4 =	simm.s32 $_scs_section_size  }
0x9a: {  	s5 =	simm.s32 $_size__tile_overlayer_lowered;
	s6 =	simm.s32 $_tile_overlayer_lowered  }
0x9b: {  	s22 =	simm.s32 $0x1BFF;
	s21 =	sshll.u32 s6, $0x1;
	s3 =	sadd.s32 s4, s19  }
0x9c: {  	s7 =	simm.s32 $0x0;
	s20 =	sshll.u32 s5, $0x1;
	s5 =	sadd.s32 s21, s3  }
0x9d: {  	[timem:s7], [sflag:s22] =	dma.local [hbm:s5], s20  }
0x9e: {  	_ =	swait.ge [sflag:s22], s20  }
0x9f: {  	s4 =	ssub.s32 $0x0, s20;
	[sflag:s22] =	ssyncset.done $0x0  }
0xa0: {  	[sflag:s22] =	ssyncadd.s32 s4;
	_ =	sdelay $0x1  }
0xa1: {  	s23 =	simm.s32 $0x1B8B  }
0xa2: {  	_ =	swait.ge [sflag:s23], $0x1  }
0xa3: {  	[sflag:s23] =	ssyncset.done $0x0  }
0xa4: {  	s25 =	simm.s32 $0x1B8E;
	s24 =	sld [smem:$0x3FFE];
	[sflag:s23] =	ssyncadd.s32 $0xFFFFFFFF  }
0xa5: {  	s26 =	simm.s32 $execute0_lowered;
	[smem:$0x3FD2] =	sst s25  }
0xa6: {  	s5 =	sshll.u32 s26, $0x1;
	_ =	strace $0x80000046;
	[dreg:$0x1] =	wrdreg $0xFFFFFFFF  }
0xa7: {  	s28 =	simm.s32 $_size_execute0_lowered;
	s3 =	sadd.s32 s3, s5;
	[dreg:$0x0] =	wrdreg $0x0  }
0xa8: {  	s5 =	sshll.u32 s28, $0x1;
	[dreg:$0x2] =	wrdreg s3  }
0xa9: {  	[dreg:$0x3] =	wrdreg s5  }
0xaa: {  	[dreg:$0x4] =	wrdreg $0xC0  }
0xab: {  	_ =	task [dreg:s7], $0x5FFFF  }
0xac: {  	[dreg:$0x1] =	wrdreg $0xFFFFFFFF  }
0xad: {  	[dreg:$0x0] =	wrdreg $0x60  }
0xae: {  	[dreg:$0x2] =	wrdreg s24  }
0xaf: {  	[dreg:$0x3] =	wrdreg s2  }
0xb0: {  	[dreg:$0x4] =	wrdreg $0x9  }
0xb1: {  	_ =	task.clear_ibuf [dreg:s7], $0x5FFFF;
	_ =	strace $0x90000046  }
0xb2: {  	s29 =	simm.s32 $0x9;
	_ =	strace $0x80000048  }
0xb3: {  	_ =	swait.ge [sflag:s29], $0x1  }
0xb4: {  	[sflag:s29] =	ssyncadd.s32 $0xFFFFFFFF  }
0xb5: {  	_ =	strace $0x90000048  }
0xb6: {  	_ =	sfence  }
0xb7: {  	s30 =	sld [smem:$0x0];
	_ =	sdelay $0x2  }
0xb8: {  	s31 =	sshll.u32 s1, $0xD;
	s1 =	sshrl.u32 s1, $0x2  }
0xb9: {  	s3 =	sand.u32 $0x4000, s31;
	s1 =	sadd.s32 s1, s30  }
0xba: {  	s0 =	sor.u32 s3, s0;
	s1 =	sshll.u32 s1, $0x11  }
0xbb: {  	s0 =	sor.u32 s1, s0  }
0xbc: {  	s0 =	sadd.s32 $0x8F2B, s0  }
0xbd: {  	[sflag:s0] =	ssyncadd.remote.s32 $0x1  }
0xbe: {  	_ =	sfence.sel $0xFFFF  }
0xbf: {  	[dreg:$0x0] =	wrdreg $0xFFFFFFFF;
	(pc) =	sbr.abs _section_cstart, $3  }
0xc0: {  	[dreg:$0x1] =	wrdreg $0xFFFFFFFF  }
0xc1: {  	_ =	task.clear_ibuf [dreg:s7], $0x2FFFF;
	_ =	strace $0x9FFFFFFF  }
0xc2: {  	(tm) =	ssettm $0x7FFFFFFF  }
0xc3: {  	_ =	shalt  }
tec
execute0_lowered:
.L_overlay_start_1:
0x0: {  	(tag) =	ssettag $0x1  }
0x1: {  	s4 =	rddreg [dreg:$0x0]  }
0x2: {  	s5 =	rddreg [dreg:$0x1]  }
0x3: {  	s0 =	rddreg [dreg:$0x2];
	s3 =	srdreg.scid  }
0x4: {  	s2 =	simm.s32 $0x0;
	s1 =	stileid.u32;
	s10 =	simm.s32 $0x8000  }
0x5: {  	s11 =	simm.s32 $0xC00;
	s12 =	simm.s32 $0x3;
	s13 =	simm.s32 $0x80  }
0x6: {  	s14 =	simm.s32 $0x1000;
	s15 =	simm.s32 $0x2000;
	s16 =	simm.s32 $0x2  }
0x7: {  	s17 =	simm.s32 $0xA000;
	s18 =	simm.s32 $0xE000;
	s19 =	simm.s32 $0x1  }
0x8: {  	s20 =	simm.s32 $0x6000;
	s21 =	simm.s32 $0x0;
	s6 =	sand.u32 $0x1, s3  }
0x9: {  	[smem:$0x7FF] =	sst s2;
	s31 =	sshll.u32 s1, $0x8;
	s7 =	sshll.u32 s6, $0x7  }
.Ltmp0:
0xa: {  	s3 =	sadd.s32 $0x1000, s4;
	s7 =	sor.u32 s7, s31;
	(pc) =	sbr.rel .LBB2_1-.Ltmp0, $4  }
0xb: {  	_ =	strace $0x80000047;
	s6 =	ssub.s32 $0x2, s6;
	s8 =	sshll.u32 s7, $0x4  }
0xc: {  	s9 =	sshrl.u32 s6, $0x1;
	s8 =	sadd.s32 s8, s4;
	s4 =	sadd.s32 s5, s7  }
0xd: {  	s9 =	ssub.s32 s6, s9;
	s5 =	sadd.s32 $0x3000, s4;
	s6 =	sadd.s32 $0x9EC200, s8  }
0xe: {  	v0 =	vimm.f32 $0.0e+00;
	s7 =	sadd.s32 $0x9FC200, s8;
	s8 =	smax.u32 s9, $0x1;
	s9 =	simm.s32 $0x400  }
.LBB2_14:
0xf: {  	[hbm4b:s6+s2] =	stream.linear.scatter [tilespmem:s17], [sflag:$0x3], $0x4000, $0x38;
	[tilespmem:$0x12000] =	vst v63  }
0x10: {  	s21 =	sadd.s32 $0x1, s21;
	_ =	swait.ge [sflag:s12], $0x4000  }
0x11: {  	p0 =	sne.s32 s21, s8;
	[sflag:s12] =	ssyncset.done $0x0  }
.Ltmp1:
0x12: {  	[sflag:s12] =	ssyncadd.s32 $0xFFFFC000;
	(pc) =	sbr.rel @!p0 .LBB2_15-.Ltmp1, $4  }
0x13: {  	[hbm4b:s7+s2] =	stream.linear.scatter [tilespmem:s18], [sflag:$0x3], $0x4000, $0x38;
	[tilespmem:$0x12000] =	vst v63  }
0x14: {  	_ =	swait.ge [sflag:s12], $0x4000  }
0x15: {  	[sflag:s12] =	ssyncset.done $0x0  }
0x16: {  	[sflag:s12] =	ssyncadd.s32 $0xFFFFC000  }
.LBB2_1:
0x17: {  	[tilespmem:s2], [sflag:$0x3] =	stream.strided.gather [hbm4b:s4+s9], $0xC00, s10, s9, $0x38;
	[tilespmem:$0x12000] =	vst v63  }
0x18: {  	_ = 	snop  }
0x19: {  	[tilespmem:s11], [sflag:$0x3] =	stream.linear.gather [hbm4b:s5+s2], $0x100, $0x38;
	[tilespmem:$0x12000] =	vst v63  }
0x1a: {  	_ =	swait.ge [sflag:s12], $0xD00  }
0x1b: {  	[sflag:s12] =	ssyncset.done $0x0  }
0x1c: {  	s23 =	simm.s32 $0x0;
	[sflag:s12] =	ssyncadd.s32 $0xFFFFF300  }
0x1d: {  	v2 =	vld [tilespmem:s23+$0x70]  }
0x1e: {  	v5 =	vld [tilespmem:s23+$0x0]  }
0x1f: {  	v6 =	vld [tilespmem:s23+$0x10]  }
0x20: {  	v4 =	vld [tilespmem:s23+$0x20]  }
0x21: {  	v3 =	vld [tilespmem:s23+$0x30]  }
0x22: {  	v1 =	vld [tilespmem:s23+$0x40];
	v7 =	vshrl.u32 v2, $0x1  }
0x23: {  	v2 =	vld [tilespmem:s23+$0x50];
	v5 =	vshrl.u32 v5, $0x1;
	[tilespmem:s23+$0x1070] =	vst v7  }
0x24: {  	s22 =	simm.s32 $0x80;
	s24 =	simm.s32 $0x400;
	v6 =	vshrl.u32 v6, $0x1;
	[tilespmem:s23+$0x1000] =	vst v5;
	v5 =	vld [tilespmem:s23+$0x60]  }
.LBB2_2:
0x25: {  	p0 =	sne.s32 s24, $0x3200;
	v7 =	vld [tilespmem:s22+$0x70];
	[tilespmem:s23+$0x1010] =	vst v6;
	v4 =	vshrl.u32 v4, $0x1  }
0x26: {  	v6 =	vld [tilespmem:s22+$0x0];
	[tilespmem:s23+$0x1020] =	vst v4;
	v3 =	vshrl.u32 v3, $0x1  }
0x27: {  	v8 =	vld [tilespmem:s22+$0x10];
	[tilespmem:s23+$0x1030] =	vst v3;
	v1 =	vshrl.u32 v1, $0x1  }
.Ltmp2:
0x28: {  	v4 =	vld [tilespmem:s22+$0x20];
	[tilespmem:s23+$0x1040] =	vst v1;
	v1 =	vshrl.u32 v2, $0x1;
	(pc) =	sbr.rel @p0 .LBB2_2-.Ltmp2, $4  }
0x29: {  	v3 =	vld [tilespmem:s22+$0x30];
	[tilespmem:s23+$0x1050] =	vst v1;
	v2 =	vshrl.u32 v5, $0x1  }
0x2a: {  	v1 =	vld [tilespmem:s22+$0x40];
	v5 =	vshrl.u32 v7, $0x1;
	[tilespmem:s23+$0x1060] =	vst v2;
	s23 =	smov.u32 s22  }
0x2b: {  	v6 =	vshrl.u32 v6, $0x1;
	v2 =	vld [tilespmem:s23+$0x50];
	[tilespmem:s23+$0x1070] =	vst v5  }
0x2c: {  	s22 =	sshra.s32 s24, $0x2;
	s24 =	sadd.s32 $0x200, s24;
	[tilespmem:s23+$0x1000] =	vst v6;
	v6 =	vshrl.u32 v8, $0x1;
	v5 =	vld [tilespmem:s23+$0x60]  }
0x2d: {  	v7 =	vld [tilespmem:s22+$0x70];
	[tilespmem:s23+$0x1010] =	vst v6;
	v4 =	vshrl.u32 v4, $0x1  }
0x2e: {  	v6 =	vld [tilespmem:s22+$0x0];
	[tilespmem:s23+$0x1020] =	vst v4;
	v3 =	vshrl.u32 v3, $0x1  }
0x2f: {  	v4 =	vld [tilespmem:s22+$0x10];
	[tilespmem:s23+$0x1030] =	vst v3;
	v1 =	vshrl.u32 v1, $0x1  }
0x30: {  	v3 =	vld [tilespmem:s22+$0x20];
	[tilespmem:s23+$0x1040] =	vst v1;
	v1 =	vshrl.u32 v2, $0x1  }
0x31: {  	v2 =	vld [tilespmem:s22+$0x30];
	[tilespmem:s23+$0x1050] =	vst v1;
	v1 =	vshrl.u32 v5, $0x1  }
0x32: {  	v61 =	vld [tilespmem:s22+$0x40];
	[tilespmem:s23+$0x1060] =	vst v1;
	v1 =	vshrl.u32 v7, $0x1  }
0x33: {  	v62 =	vld [tilespmem:s22+$0x50];
	v6 =	vshrl.u32 v6, $0x1;
	[tilespmem:s22+$0x1070] =	vst v1  }
0x34: {  	v63 =	vld [tilespmem:s22+$0x60];
	[tilespmem:s22+$0x1000] =	vst v6;
	v1 =	vshrl.u32 v4, $0x1  }
0x35: {  	[tilespmem:s22+$0x1010] =	vst v1;
	v1 =	vshrl.u32 v3, $0x1  }
0x36: {  	[tilespmem:s22+$0x1020] =	vst v1;
	v1 =	vshrl.u32 v2, $0x1  }
0x37: {  	[tilespmem:s22+$0x1030] =	vst v1;
	v1 =	vshrl.u32 v61, $0x1  }
0x38: {  	[tilespmem:s22+$0x1040] =	vst v1;
	v1 =	vshrl.u32 v62, $0x1  }
0x39: {  	[tilespmem:s22+$0x1050] =	vst v1;
	v1 =	vshrl.u32 v63, $0x1  }
0x3a: {  	s23 =	simm.s32 $0x200;
	[tilespmem:s22+$0x1060] =	vst v1;
	s22 =	simm.s32 $0x0  }
.LBB2_4:
0x3b: {  	p0 =	sne.s32 s23, $0xFE00;
	[tilespmem:s22+$0xE030] =	vst v0  }
0x3c: {  	[tilespmem:s22+$0xA000] =	vst v0  }
0x3d: {  	[tilespmem:s22+$0xE000] =	vst v0  }
.Ltmp3:
0x3e: {  	[tilespmem:s22+$0xA010] =	vst v0;
	(pc) =	sbr.rel @p0 .LBB2_4-.Ltmp3, $4  }
0x3f: {  	[tilespmem:s22+$0xE010] =	vst v0  }
0x40: {  	[tilespmem:s22+$0xA020] =	vst v0  }
0x41: {  	[tilespmem:s22+$0xE020] =	vst v0  }
0x42: {  	[tilespmem:s22+$0xA030] =	vst v0;
	s22 =	sshra.s32 s23, $0x2;
	s23 =	sadd.s32 $0x200, s23  }
0x43: {  	[tilespmem:s22+$0xE030] =	vst v0  }
0x44: {  	[tilespmem:s22+$0xA000] =	vst v0  }
0x45: {  	[tilespmem:s22+$0xE000] =	vst v0  }
0x46: {  	[tilespmem:s22+$0xA010] =	vst v0  }
.Ltmp4:
0x47: {  	[tilespmem:s22+$0xE010] =	vst v0;
	(pc) =	sbr.rel .LBB2_6-.Ltmp4, $4  }
0x48: {  	[tilespmem:s22+$0xA020] =	vst v0  }
0x49: {  	[tilespmem:s22+$0xE020] =	vst v0  }
0x4a: {  	[tilespmem:s22+$0xA030] =	vst v0;
	s22 =	simm.s32 $0x0  }
0x4b: {  	[tilespmem:s15], [sflag:$0x1] =	stream.indirect.gather [hbm4b:s3+s13], $0x80, s14, s13, $0xb8;
	[tilespmem:$0x12000] =	vst v63  }
.LBB2_9:
0x4c: {  	[tilespmem:s23+$0xA000] =	vst.add.f32.msk $0xffff, v9  }
0x4d: {  	v1 =	vadd.s32 v1, v4;
	[tilespmem:s23+$0xA010] =	vst.add.f32.msk $0xffff, v8  }
0x4e: {  	v56 =	vmul.f32 v9, v9;
	v57 =	vsel vm0, v6, v7;
	[tilespmem:s23+$0xA020] =	vst.add.f32.msk $0xffff, v5;
	v1 =	vbroadcast v1, $0x0  }
0x4f: {  	v10 =	vmul.f32 v8, v8;
	[tilespmem:s23+$0xA030] =	vst.add.f32.msk $0xffff, v57  }
0x50: {  	v58 =	vmul.f32 v5, v5;
	[tilespmem:s23+$0xE000] =	vst.add.f32.msk $0xffff, v56  }
0x51: {  	v7 =	vmul.f32 v57, v57;
	[tilespmem:s23+$0xE010] =	vst.add.f32.msk $0xffff, v10  }
0x52: {  	[tilespmem:s23+$0xE020] =	vst.add.f32.msk $0xffff, v58  }
0x53: {  	[tilespmem:s23+$0xE030] =	vst.add.f32.msk $0xffff, v7  }
0x54: {  	v1 =	vld.idx.msk [tilespmem:v1+s2+$0x0], $0xffff;
	_ =	sdelay $0x2  }
0x55: {  	v4 =	vld [tilespmem:s24+$0x2020]  }
0x56: {  	v5 =	vld [tilespmem:s24+$0x2030]  }
0x57: {  	v1 =	vand.u32 $0x80000001, v1  }
0x58: {  	v59 =	vshll.u32 v2, $0x10;
	v2 =	vand.u32 $0xFFFF0000, v2;
	vm15 =	veq.s32 v1, $0x1  }
0x59: {  	v60 =	vshll.u32 v3, $0x10;
	v3 =	vand.u32 $0xFFFF0000, v3;
	v2 =	vsel vm15, v59, v2  }
0x5a: {  	v1 =	vshll.u32 v4, $0x10;
	v4 =	vand.u32 $0xFFFF0000, v4;
	v3 =	vsel vm15, v60, v3;
	[tilespmem:s24+$0xA000] =	vst.add.f32.msk $0xffff, v2  }
0x5b: {  	v61 =	vshll.u32 v5, $0x10;
	v5 =	vand.u32 $0xFFFF0000, v5;
	v1 =	vsel vm15, v1, v4;
	[tilespmem:s24+$0xA010] =	vst.add.f32.msk $0xffff, v3  }
0x5c: {  	v2 =	vmul.f32 v2, v2;
	v62 =	vmul.f32 v3, v3;
	v3 =	vsel vm15, v61, v5;
	[tilespmem:s24+$0xA020] =	vst.add.f32.msk $0xffff, v1  }
0x5d: {  	[tilespmem:s24+$0xA030] =	vst.add.f32.msk $0xffff, v3  }
0x5e: {  	v63 =	vmul.f32 v1, v1;
	[tilespmem:s24+$0xE000] =	vst.add.f32.msk $0xffff, v2  }
0x5f: {  	v2 =	vmul.f32 v3, v3;
	[tilespmem:s24+$0xE010] =	vst.add.f32.msk $0xffff, v62  }
0x60: {  	[tilespmem:s24+$0xE020] =	vst.add.f32.msk $0xffff, v63  }
0x61: {  	[tilespmem:s24+$0xE030] =	vst.add.f32.msk $0xffff, v2  }
.LBB2_13:
0x62: {  	s22 =	sadd.s32 $0x1, s22  }
0x63: {  	p0 =	sne.s32 s22, $0x1A  }
.Ltmp5:
0x64: {  	_ = 	snop;
	(pc) =	sbr.rel @!p0 .LBB2_14-.Ltmp5, $1  }
0x65: {  	_ =	sdelay $0x3  }
.LBB2_6:
0x66: {  	s23 =	sand.u32 $0x1, s22  }
0x67: {  	p0 =	seq.s32 s23, $0x1  }
.Ltmp6:
0x68: {  	_ = 	snop;
	(pc) =	sbr.rel @!p0 .LBB2_7-.Ltmp6, $1  }
0x69: {  	_ =	sdelay $0x3  }
0x6a: {  	p0 =	seq.s32 s22, $0x19  }
0x6b: {  	s23 =	simm.s32 $0x0;
	s24 =	sadd.s32 @!p0 $0x1, s22  }
0x6c: {  	s25 =	sshll.u32 s22, $0x7;
	_ =	swait.ge [sflag:s16], $0x4000;
	v2 =	vmov s23;
	s23 =	sshrl.u32 @!p0 s24, $0x1  }
0x6d: {  	v1 =	vmov s25;
	[sflag:s16] =	ssyncset.done $0x0;
	s24 =	sshll.u32 @!p0 s24, $0x7;
	v2 =	vand.u32 $0x7F, v2;
	s23 =	smul.u32 @!p0 $0xC3500, s23  }
0x6e: {  	s25 =	simm.s32 @!p0 $0x80;
	s26 =	simm.s32 @!p0 $0x2000;
	s24 =	sand.u32 @!p0 $0x3FFFFF80, s24;
	v2 =	vadd.s32 v1, v2  }
0x6f: {  	[sflag:s16] =	ssyncadd.s32 $0xFFFFC000;
	s24 =	sadd.s32 @!p0 $0x1000, s24;
	v2 =	vbroadcast v2, $0x0;
	s23 =	sadd.s32 @!p0 s3, s23  }
0x70: {  	[tilespmem:s26], [sflag:$0x1] =	stream.indirect.gather @!p0 [hbm4b:s23+s25], $0x80, s24, s25, $0xb8;
	[tilespmem:$0x12000] =	vst v63  }
0x71: {  	s23 =	simm.s32 $0x0  }
0x72: {  	v3 =	vld [tilespmem:s23+$0x6040]  }
0x73: {  	v5 =	vld [tilespmem:s23+$0x6050]  }
0x74: {  	v6 =	vld [tilespmem:s23+$0x6060]  }
0x75: {  	v2 =	vld.idx.msk [tilespmem:v2+s2+$0x0], $0xffff  }
0x76: {  	s25 =	simm.s32 $0x1;
	v7 =	vld [tilespmem:s23+$0x6070]  }
0x77: {  	v4 =	vmov s25  }
0x78: {  	v4 =	vand.u32 $0x7F, v4;
	v8 =	vshll.u32 v3, $0x10  }
0x79: {  	v9 =	vand.u32 $0xFFFF0000, v3;
	v10 =	vshll.u32 v5, $0x10;
	v5 =	vand.u32 $0xFFFF0000, v5  }
0x7a: {  	s24 =	simm.s32 $0x80;
	v11 =	vshll.u32 v6, $0x10;
	v12 =	vand.u32 $0xFFFF0000, v6;
	v3 =	vand.u32 $0x80000001, v2  }
0x7b: {  	v6 =	vshll.u32 v7, $0x10;
	v7 =	vand.u32 $0xFFFF0000, v7;
	v2 =	vld [tilespmem:s24+$0x6040];
	vm0 =	veq.s32 v3, $0x1  }
0x7c: {  	s26 =	simm.s32 $0x400;
	v3 =	vld [tilespmem:s24+$0x6050];
	v9 =	vsel vm0, v8, v9;
	v8 =	vsel vm0, v10, v5;
	v5 =	vsel vm0, v11, v12  }
.LBB2_11:
0x7d: {  	p0 =	sne.s32 s26, $0xFE00;
	[tilespmem:s23+$0xA000] =	vst.add.f32.msk $0xffff, v9;
	v9 =	vmul.f32 v9, v9;
	v10 =	vmul.f32 v8, v8;
	v6 =	vsel vm0, v6, v7  }
0x7e: {  	v4 =	vadd.s32 v1, v4;
	v7 =	vmul.f32 v5, v5;
	[tilespmem:s23+$0xA010] =	vst.add.f32.msk $0xffff, v8;
	v8 =	vmul.f32 v6, v6  }
0x7f: {  	v4 =	vbroadcast v4, $0x0;
	[tilespmem:s23+$0xE000] =	vst.add.f32.msk $0xffff, v9  }
0x80: {  	[tilespmem:s23+$0xE010] =	vst.add.f32.msk $0xffff, v10  }
0x81: {  	[tilespmem:s23+$0xE020] =	vst.add.f32.msk $0xffff, v7  }
0x82: {  	[tilespmem:s23+$0xE030] =	vst.add.f32.msk $0xffff, v8  }
0x83: {  	[tilespmem:s23+$0xA020] =	vst.add.f32.msk $0xffff, v5  }
0x84: {  	[tilespmem:s23+$0xA030] =	vst.add.f32.msk $0xffff, v6;
	s23 =	smov.u32 s24  }
0x85: {  	v5 =	vld.idx.msk [tilespmem:v4+s2+$0x0], $0xffff  }
0x86: {  	v6 =	vld [tilespmem:s23+$0x6060]  }
0x87: {  	s25 =	sadd.s32 $0x1, s25;
	v7 =	vld [tilespmem:s23+$0x6070]  }
0x88: {  	v4 =	vmov s25  }
.Ltmp7:
0x89: {  	v8 =	vshll.u32 v2, $0x10;
	v4 =	vand.u32 $0x7F, v4;
	(pc) =	sbr.rel @p0 .LBB2_11-.Ltmp7, $4  }
0x8a: {  	v9 =	vand.u32 $0xFFFF0000, v2;
	v10 =	vshll.u32 v3, $0x10;
	v11 =	vand.u32 $0xFFFF0000, v3  }
0x8b: {  	s24 =	sshra.s32 s26, $0x2;
	v3 =	vand.u32 $0x80000001, v5;
	v5 =	vshll.u32 v6, $0x10;
	v12 =	vand.u32 $0xFFFF0000, v6  }
0x8c: {  	vm0 =	veq.s32 v3, $0x1;
	v2 =	vld [tilespmem:s24+$0x6040];
	v6 =	vshll.u32 v7, $0x10;
	v7 =	vand.u32 $0xFFFF0000, v7  }
0x8d: {  	s26 =	sadd.s32 $0x200, s26;
	v9 =	vsel vm0, v8, v9;
	v8 =	vsel vm0, v10, v11;
	v5 =	vsel vm0, v5, v12;
	v3 =	vld [tilespmem:s24+$0x6050]  }
0x8e: {  	[tilespmem:s23+$0xA000] =	vst.add.f32.msk $0xffff, v9  }
0x8f: {  	v1 =	vadd.s32 v1, v4;
	[tilespmem:s23+$0xA010] =	vst.add.f32.msk $0xffff, v8  }
0x90: {  	v56 =	vmul.f32 v9, v9;
	v57 =	vsel vm0, v6, v7;
	[tilespmem:s23+$0xA020] =	vst.add.f32.msk $0xffff, v5;
	v1 =	vbroadcast v1, $0x0  }
0x91: {  	v10 =	vmul.f32 v8, v8;
	[tilespmem:s23+$0xA030] =	vst.add.f32.msk $0xffff, v57  }
0x92: {  	v58 =	vmul.f32 v5, v5;
	[tilespmem:s23+$0xE000] =	vst.add.f32.msk $0xffff, v56  }
0x93: {  	v7 =	vmul.f32 v57, v57;
	[tilespmem:s23+$0xE010] =	vst.add.f32.msk $0xffff, v10  }
0x94: {  	[tilespmem:s23+$0xE020] =	vst.add.f32.msk $0xffff, v58  }
0x95: {  	[tilespmem:s23+$0xE030] =	vst.add.f32.msk $0xffff, v7  }
0x96: {  	v1 =	vld.idx.msk [tilespmem:v1+s2+$0x0], $0xffff;
	_ =	sdelay $0x2  }
0x97: {  	v4 =	vld [tilespmem:s24+$0x6060]  }
0x98: {  	v5 =	vld [tilespmem:s24+$0x6070]  }
0x99: {  	v1 =	vand.u32 $0x80000001, v1  }
0x9a: {  	v59 =	vshll.u32 v2, $0x10;
	v2 =	vand.u32 $0xFFFF0000, v2;
	vm15 =	veq.s32 v1, $0x1  }
0x9b: {  	v60 =	vshll.u32 v3, $0x10;
	v3 =	vand.u32 $0xFFFF0000, v3;
	v2 =	vsel vm15, v59, v2  }
0x9c: {  	v1 =	vshll.u32 v4, $0x10;
	v4 =	vand.u32 $0xFFFF0000, v4;
	v3 =	vsel vm15, v60, v3;
	[tilespmem:s24+$0xA000] =	vst.add.f32.msk $0xffff, v2  }
0x9d: {  	v61 =	vshll.u32 v5, $0x10;
	v5 =	vand.u32 $0xFFFF0000, v5;
	v1 =	vsel vm15, v1, v4;
	[tilespmem:s24+$0xA010] =	vst.add.f32.msk $0xffff, v3  }
0x9e: {  	v2 =	vmul.f32 v2, v2;
	v62 =	vmul.f32 v3, v3;
	v3 =	vsel vm15, v61, v5;
	[tilespmem:s24+$0xA020] =	vst.add.f32.msk $0xffff, v1  }
.Ltmp8:
0x9f: {  	[tilespmem:s24+$0xA030] =	vst.add.f32.msk $0xffff, v3;
	(pc) =	sbr.rel .LBB2_13-.Ltmp8, $4  }
0xa0: {  	v63 =	vmul.f32 v1, v1;
	[tilespmem:s24+$0xE000] =	vst.add.f32.msk $0xffff, v2  }
0xa1: {  	v2 =	vmul.f32 v3, v3;
	[tilespmem:s24+$0xE010] =	vst.add.f32.msk $0xffff, v62  }
0xa2: {  	[tilespmem:s24+$0xE020] =	vst.add.f32.msk $0xffff, v63  }
0xa3: {  	[tilespmem:s24+$0xE030] =	vst.add.f32.msk $0xffff, v2  }
.LBB2_7:
0xa4: {  	s23 =	simm.s32 $0x0  }
0xa5: {  	s24 =	sshll.u32 s22, $0x7;
	s31 =	sshrl.u32 s22, $0x1;
	v2 =	vmov s23  }
0xa6: {  	_ =	swait.ge [sflag:s19], $0x4000;
	v1 =	vmov s24;
	s23 =	smul.u32 $0xC3500, s31;
	v2 =	vand.u32 $0x7F, v2  }
0xa7: {  	[sflag:s19] =	ssyncset.done $0x0;
	s24 =	sand.u32 $0x3FFFFF80, s24;
	v2 =	vadd.s32 v1, v2  }
0xa8: {  	[sflag:s19] =	ssyncadd.s32 $0xFFFFC000;
	s24 =	sadd.s32 $0x1080, s24;
	s23 =	sadd.s32 s3, s23;
	v2 =	vbroadcast v2, $0x0  }
0xa9: {  	[tilespmem:s20], [sflag:$0x2] =	stream.indirect.gather [hbm4b:s23+s13], $0x80, s24, s13, $0xb8;
	[tilespmem:$0x12000] =	vst v63  }
0xaa: {  	s23 =	simm.s32 $0x0  }
0xab: {  	v3 =	vld [tilespmem:s23+$0x2000]  }
0xac: {  	v5 =	vld [tilespmem:s23+$0x2010]  }
0xad: {  	v6 =	vld [tilespmem:s23+$0x2020]  }
0xae: {  	v2 =	vld.idx.msk [tilespmem:v2+s2+$0x0], $0xffff  }
0xaf: {  	s25 =	simm.s32 $0x1;
	v7 =	vld [tilespmem:s23+$0x2030]  }
0xb0: {  	v4 =	vmov s25  }
0xb1: {  	v4 =	vand.u32 $0x7F, v4;
	v8 =	vshll.u32 v3, $0x10  }
0xb2: {  	v9 =	vand.u32 $0xFFFF0000, v3;
	v10 =	vshll.u32 v5, $0x10;
	v5 =	vand.u32 $0xFFFF0000, v5  }
0xb3: {  	s24 =	simm.s32 $0x80;
	v11 =	vshll.u32 v6, $0x10;
	v12 =	vand.u32 $0xFFFF0000, v6;
	v3 =	vand.u32 $0x80000001, v2  }
0xb4: {  	v6 =	vshll.u32 v7, $0x10;
	v7 =	vand.u32 $0xFFFF0000, v7;
	v2 =	vld [tilespmem:s24+$0x2000];
	vm0 =	veq.s32 v3, $0x1  }
0xb5: {  	s26 =	simm.s32 $0x400;
	v3 =	vld [tilespmem:s24+$0x2010];
	v9 =	vsel vm0, v8, v9;
	v8 =	vsel vm0, v10, v5;
	v5 =	vsel vm0, v11, v12  }
.LBB2_8:
0xb6: {  	p0 =	seq.s32 s26, $0xFE00;
	[tilespmem:s23+$0xA000] =	vst.add.f32.msk $0xffff, v9;
	v9 =	vmul.f32 v9, v9;
	v10 =	vmul.f32 v8, v8;
	v6 =	vsel vm0, v6, v7  }
0xb7: {  	v4 =	vadd.s32 v1, v4;
	v7 =	vmul.f32 v5, v5;
	[tilespmem:s23+$0xA010] =	vst.add.f32.msk $0xffff, v8;
	v8 =	vmul.f32 v6, v6  }
0xb8: {  	v4 =	vbroadcast v4, $0x0;
	[tilespmem:s23+$0xE000] =	vst.add.f32.msk $0xffff, v9  }
0xb9: {  	[tilespmem:s23+$0xE010] =	vst.add.f32.msk $0xffff, v10  }
0xba: {  	[tilespmem:s23+$0xE020] =	vst.add.f32.msk $0xffff, v7  }
0xbb: {  	[tilespmem:s23+$0xE030] =	vst.add.f32.msk $0xffff, v8  }
0xbc: {  	[tilespmem:s23+$0xA020] =	vst.add.f32.msk $0xffff, v5  }
0xbd: {  	[tilespmem:s23+$0xA030] =	vst.add.f32.msk $0xffff, v6;
	s23 =	smov.u32 s24  }
0xbe: {  	v5 =	vld.idx.msk [tilespmem:v4+s2+$0x0], $0xffff  }
0xbf: {  	v6 =	vld [tilespmem:s23+$0x2020]  }
0xc0: {  	s25 =	sadd.s32 $0x1, s25;
	v7 =	vld [tilespmem:s23+$0x2030]  }
0xc1: {  	v4 =	vmov s25  }
.Ltmp9:
0xc2: {  	v8 =	vshll.u32 v2, $0x10;
	v4 =	vand.u32 $0x7F, v4;
	(pc) =	sbr.rel @!p0 .LBB2_8-.Ltmp9, $4  }
0xc3: {  	v11 =	vand.u32 $0xFFFF0000, v3;
	v9 =	vand.u32 $0xFFFF0000, v2;
	v10 =	vshll.u32 v3, $0x10  }
0xc4: {  	s24 =	sshra.s32 s26, $0x2;
	v3 =	vand.u32 $0x80000001, v5;
	v5 =	vshll.u32 v6, $0x10;
	v12 =	vand.u32 $0xFFFF0000, v6  }
0xc5: {  	vm0 =	veq.s32 v3, $0x1;
	v2 =	vld [tilespmem:s24+$0x2000];
	v6 =	vshll.u32 v7, $0x10;
	v7 =	vand.u32 $0xFFFF0000, v7  }
0xc6: {  	s26 =	sadd.s32 $0x200, s26;
	v9 =	vsel vm0, v8, v9;
	v8 =	vsel vm0, v10, v11;
	v5 =	vsel vm0, v5, v12;
	v3 =	vld [tilespmem:s24+$0x2010]  }
.Ltmp10:
0xc7: {  	_ = 	snop;
	(pc) =	sbr.rel .LBB2_9-.Ltmp10, $1  }
0xc8: {  	_ =	sdelay $0x3  }
.LBB2_15:
0xc9: {  	_ =	sfence.sel $0x180000  }
0xca: {  	[bflag:$0x0] =	sbarrier.arrive $0xFFFF  }
0xcb: {  	p0 =	sne.s32 s1, $0x0;
	_ =	strace $0x90000047  }
0xcc: {  	s0 =	sadd.s32 @!p0 $0x100000, s0;
	[bflag:$0x2] =	sbarrier.arrive $0xFFFF  }
0xcd: {  	[sflag:s0] =	ssyncadd.tile.s32 @!p0 $0x1;
	_ =	shalt  }
.Lfunc_end2:
_tile_overlayer_lowered:
.L_overlay_start_2:
0xce: {  	(tag) =	ssettag $0x2  }
0xcf: {  	s0 =	rddreg [dreg:$0x0];
	s2 =	stileid.u32  }
0xd0: {  	s1 =	rddreg [dreg:$0x1];
	p0 =	sne.s32 s2, $0x0  }
0xd1: {  	s3 =	rddreg [dreg:$0x2];
	[bflag:$0x3] =	sbarrier.arrive $0xFFFF;
	s2 =	simm.s32 @!p0 $0x1C03  }
0xd2: {  	[timem:s3], [sflag:s2] =	dma.local @!p0 [hbm:s0], s1  }
0xd3: {  	s0 =	simm.s32 @!p0 $0x3  }
0xd4: {  	_ =	swait.ge @!p0 [sflag:s0], s1  }
0xd5: {  	s1 =	ssub.s32 @!p0 $0x0, s1;
	[sflag:s0] =	ssyncset.done @!p0 $0x0  }
0xd6: {  	[sflag:s0] =	ssyncadd.s32 @!p0 s1  }
0xd7: {  	[bflag:$0x3] =	sbarrier.arrive $0xFFFF  }
0xd8: {  	_ =	shalt  }

</sc_bundles>
